<compile_context>
chip_gen: v7x
topology: tpu7x:2x2x1
jax: 0.10.2.dev20260603
libtpu: 0.0.44.dev20260713+nightly
codegen_flags: <defaults>
</compile_context>

<pallas_src>
import functools

import jax
import jax.numpy as jnp
from jax import lax
from jax.experimental import pallas as pl
from jax.experimental.pallas import tpu as pltpu
from jax.experimental.pallas import tpu_sc as plsc


def _argmin_body(nk, x_ref, e_ref, ind_ref, acc_ref, hen_ref):
    ti = pl.program_id(0)
    kj = pl.program_id(1)
    dim = x_ref.shape[1]
    e = e_ref[pl.ds(kj * nk, nk), :].astype(jnp.bfloat16)

    @pl.when(ti == 0)
    def _():
        half = jnp.full((1, dim), 0.5, dtype=jnp.bfloat16)
        hen_ref[:, pl.ds(kj * nk, nk)] = lax.dot_general(
            half, e * e, (((1,), (1,)), ((), ())),
            preferred_element_type=jnp.float32)

    dot = lax.dot_general(x_ref[...].astype(jnp.bfloat16), e,
                          (((1,), (1,)), ((), ())),
                          preferred_element_type=jnp.float32)
    t = dot - hen_ref[:, pl.ds(kj * nk, nk)]
    lane = lax.broadcasted_iota(jnp.int32, (1, nk), 1)
    jbits = lane | (kj * nk)
    tp = lax.bitcast_convert_type(
        (lax.bitcast_convert_type(t, jnp.int32) & jnp.int32(~8191)) | jbits,
        jnp.float32)
    bm = jnp.max(tp, axis=1, keepdims=True)

    @pl.when(kj == 0)
    def _():
        acc_ref[...] = bm

    @pl.when(kj > 0)
    def _():
        acc_ref[...] = jnp.maximum(acc_ref[...], bm)

    @pl.when(kj == pl.num_programs(1) - 1)
    def _():
        ind_ref[...] = lax.bitcast_convert_type(
            acc_ref[...], jnp.int32) & jnp.int32(8191)


def _argmin_call(x, e, tm, nk):
    b, dim = x.shape
    n_embed = e.shape[0]
    return pl.pallas_call(
        functools.partial(_argmin_body, nk),
        grid=(b // tm, n_embed // nk),
        in_specs=[
            pl.BlockSpec((tm, dim), lambda i, j: (i, 0)),
            pl.BlockSpec((n_embed, dim), lambda i, j: (0, 0)),
        ],
        out_specs=pl.BlockSpec((tm, 1), lambda i, j: (i, 0)),
        out_shape=jax.ShapeDtypeStruct((b, 1), jnp.int32),
        scratch_shapes=[
            pltpu.VMEM((tm, 1), jnp.float32),
            pltpu.VMEM((1, n_embed), jnp.float32),
        ],
    )(x, e)


def _make_sc_gather(dim, b):
    info = plsc.get_sparse_core_info()
    nc, ns = info.num_cores, info.num_subcores
    nw = nc * ns
    b_per_w = b // nw
    ch = 128
    n_chunks = b_per_w // ch
    mesh = plsc.VectorSubcoreMesh(core_axis_name="c", subcore_axis_name="s")

    @functools.partial(
        pl.kernel, mesh=mesh,
        out_type=jax.ShapeDtypeStruct((b, dim), jnp.float32),
        scratch_types=[
            pltpu.VMEM((b_per_w,), jnp.int32),
            pltpu.VMEM((ch, dim), jnp.float32),
            pltpu.SemaphoreType.DMA,
        ],
    )
    def gather_kernel(table_hbm, idx_hbm, out_hbm, idx_v, buf, sem):
        wid = lax.axis_index("s") * nc + lax.axis_index("c")
        base = wid * b_per_w
        pltpu.sync_copy(idx_hbm.at[pl.ds(base, b_per_w)], idx_v)
        for c in range(n_chunks):
            pltpu.async_copy(
                table_hbm.at[idx_v.at[pl.ds(c * ch, ch)]], buf, sem).wait()
            pltpu.sync_copy(buf, out_hbm.at[pl.ds(base + c * ch, ch)])

    return gather_kernel


def _proj_body(x_ref, q_ref, w_ref, b_ref, out_ref):
    x = x_ref[...]
    r = x - q_ref[...]
    out_ref[...] = (x + b_ref[...]
                    + lax.dot_general(r, w_ref[...], (((1,), (1,)), ((), ())),
                                      preferred_element_type=jnp.float32))


def _proj_call(x, q, w, bias, tm):
    b, dim = x.shape
    dim_out = w.shape[0]
    return pl.pallas_call(
        _proj_body,
        grid=(b // tm,),
        in_specs=[
            pl.BlockSpec((tm, dim), lambda i: (i, 0)),
            pl.BlockSpec((tm, dim), lambda i: (i, 0)),
            pl.BlockSpec((dim_out, dim), lambda i: (0, 0)),
            pl.BlockSpec((1, dim_out), lambda i: (0, 0)),
        ],
        out_specs=pl.BlockSpec((tm, dim_out), lambda i: (i, 0)),
        out_shape=jax.ShapeDtypeStruct((b, dim_out), jnp.float32),
    )(x, q, w, bias.reshape(1, dim_out))


def kernel(x, embed_weight, proj_w, proj_b):
    b, dim = x.shape
    ind = _argmin_call(x, embed_weight, tm=8192, nk=512).reshape(b)
    quantized = _make_sc_gather(dim, b)(embed_weight, ind)
    return _proj_call(x, quantized, proj_w, proj_b, tm=1024)

# --- scband reference (transcript-rebuilt; emitter-appended) ---
"""Pipeline reference for scband-residual-vector-quantizer-77910706749688 (READ-ONLY COPY).

The authoritative reference and input builder live on the scoring server;
editing this copy changes nothing except your own understanding.
"""

import jax, jax.numpy as jnp
import numpy as np

B = 16384
DIM = 256
DIM_OUT = 256
N_EMBED = 8192


def setup_inputs(seed: int = 0) -> dict:
    key = jax.random.key(seed)
    k1, k2, k3 = jax.random.split(key, 3)
    x = jax.random.normal(k1, (B, DIM), dtype=jnp.float32)
    embed_weight = jax.random.normal(k2, (N_EMBED, DIM), dtype=jnp.float32) * 0.02
    proj_w = jax.random.normal(k3, (DIM_OUT, DIM), dtype=jnp.float32) * 0.02
    proj_b = jnp.zeros((DIM_OUT,), dtype=jnp.float32)
    return {"x": x, "embed_weight": embed_weight, "proj_w": proj_w, "proj_b": proj_b}


def reference(x, embed_weight, proj_w, proj_b):
    # dists[i, j] = ||x_i||^2 - 2 x_i . e_j + ||e_j||^2
    dists = (
        jnp.sum(x ** 2, axis=1, keepdims=True)
        - 2.0 * (x @ embed_weight.T)
        + jnp.sum(embed_weight ** 2, axis=1)
    )
    embed_ind = jnp.argmin(dists, axis=1)
    # one-hot via scatter-overwrite, matching torch scatter_(1, idx, 1)
    embed_onehot = jnp.zeros_like(dists).at[jnp.arange(x.shape[0]), embed_ind].set(1.0)
    quantized = embed_onehot @ embed_weight
    residual = (x - quantized) @ proj_w.T + proj_b
    out = x + residual
    return out

if __name__ == "__main__":
    import jax
    _d = setup_inputs()
    print(jax.jit(kernel)(*tuple(_d.values())))

</pallas_src>

<mosaic_0001>
#map = affine_map<(d0, d1) -> (0, 0)>
#map1 = affine_map<(d0, d1) -> (0)>
module attributes {stable_mosaic.version = 14 : i64} {
  func.func @gather_kernel(%arg0: i32, %arg1: i32, %arg2: memref<8192x256xf32, #tpu.memory_space<hbm>>, %arg3: memref<16384xi32, #tpu.memory_space<hbm>>, %arg4: memref<16384x256xf32, #tpu.memory_space<hbm>>, %arg5: memref<512xi32, #tpu.memory_space<vmem>>, %arg6: memref<128x256xf32, #tpu.memory_space<vmem>>, %arg7: memref<!tpu.dma_semaphore, #tpu.memory_space<semaphore_mem>>) attributes {dimension_semantics = [#tpu.dimension_semantics<core_parallel>, #tpu.dimension_semantics<subcore_parallel>], iteration_bounds = array<i64: 2, 16>, scalar_prefetch = 0 : i64, scratch_operands = 3 : i64, tpu.core_type = #tpu.core_type<sc_vector_subcore>, window_params = [{transform_indices = #map}, {transform_indices = #map1}, {transform_indices = #map}]} {
    %mul3A = arith.constant 2 : i32
    %mul3A_0 = arith.muli %arg1, %mul3A : i32
    %add3A = arith.addi %mul3A_0, %arg0 : i32
    %mul3A_1 = arith.constant 512 : i32
    %mul3A_2 = arith.muli %add3A, %mul3A_1 : i32
    "tpu.region"() ({
      %run_scoped3A = tpu.sem_alloc : memref<!tpu.dma_semaphore, #tpu.memory_space<semaphore_mem>>
      %dma_start3A_49 = tpu.memref_slice %arg3[%mul3A_2] : memref<16384xi32, #tpu.memory_space<hbm>> -> memref<512xi32, #tpu.memory_space<hbm>>
      %dma_start3A_50 = tpu.memref_slice %arg3[%mul3A_2] : memref<16384xi32, #tpu.memory_space<hbm>> -> memref<512xi32, #tpu.memory_space<hbm>>
      tpu.enqueue_dma source(%dma_start3A_50 : memref<512xi32, #tpu.memory_space<hbm>>) target(%arg5 : memref<512xi32, #tpu.memory_space<vmem>>) target_semaphore(%run_scoped3A : memref<!tpu.dma_semaphore, #tpu.memory_space<semaphore_mem>>)
      %dma_wait3A_51 = tpu.memref_slice %arg3[%mul3A_2] : memref<16384xi32, #tpu.memory_space<hbm>> -> memref<512xi32, #tpu.memory_space<hbm>>
      %dma_wait3A_52 = tpu.memref_slice %arg3[%mul3A_2] : memref<16384xi32, #tpu.memory_space<hbm>> -> memref<512xi32, #tpu.memory_space<hbm>>
      tpu.wait_dma2 semaphore(%run_scoped3A : memref<!tpu.dma_semaphore, #tpu.memory_space<semaphore_mem>>) src(%dma_wait3A_52 : memref<512xi32, #tpu.memory_space<hbm>>) dst(%arg5 : memref<512xi32, #tpu.memory_space<vmem>>)
      tpu.yield
    }) : () -> ()
    %dma_start3A = arith.constant 0 : i32
    %dma_start3A_3 = tpu.memref_slice %arg5[%dma_start3A] : memref<512xi32, #tpu.memory_space<vmem>> -> memref<128xi32, #tpu.memory_space<vmem>>
    %dma_start3A_4 = arith.constant 0 : i32
    %dma_start3A_5 = arith.constant 0 : i32
    %dma_start3A_6 = tpu.memref_slice %arg2[%dma_start3A_4, %dma_start3A_5] : memref<8192x256xf32, #tpu.memory_space<hbm>> -> memref<8192x256xf32, #tpu.memory_space<hbm>>
    tpu.enqueue_indirect_dma source(%dma_start3A_6 : memref<8192x256xf32, #tpu.memory_space<hbm>>) target(%arg6 : memref<128x256xf32, #tpu.memory_space<vmem>>) offsets(%dma_start3A_3 : memref<128xi32, #tpu.memory_space<vmem>>) semaphore(%arg7 : memref<!tpu.dma_semaphore, #tpu.memory_space<semaphore_mem>>)
    %dma_wait3A = arith.constant 0 : i32
    %dma_wait3A_7 = tpu.memref_slice %arg5[%dma_wait3A] : memref<512xi32, #tpu.memory_space<vmem>> -> memref<128xi32, #tpu.memory_space<vmem>>
    %dma_wait3A_8 = arith.constant 0 : i32
    %dma_wait3A_9 = arith.constant 0 : i32
    %dma_wait3A_10 = tpu.memref_slice %arg2[%dma_wait3A_8, %dma_wait3A_9] : memref<8192x256xf32, #tpu.memory_space<hbm>> -> memref<8192x256xf32, #tpu.memory_space<hbm>>
    tpu.wait_indirect_dma semaphore(%arg7 : memref<!tpu.dma_semaphore, #tpu.memory_space<semaphore_mem>>) src(%dma_wait3A_10 : memref<8192x256xf32, #tpu.memory_space<hbm>>) dst(%arg6 : memref<128x256xf32, #tpu.memory_space<vmem>>)
    %add3A_11 = arith.constant 0 : i32
    %add3A_12 = arith.addi %mul3A_2, %add3A_11 : i32
    "tpu.region"() ({
      %run_scoped3A = tpu.sem_alloc : memref<!tpu.dma_semaphore, #tpu.memory_space<semaphore_mem>>
      %dma_start3A_49 = arith.constant 0 : i32
      %dma_start3A_50 = tpu.memref_slice %arg4[%add3A_12, %dma_start3A_49] : memref<16384x256xf32, #tpu.memory_space<hbm>> -> memref<128x256xf32, #tpu.memory_space<hbm>>
      %dma_start3A_51 = arith.constant 0 : i32
      %dma_start3A_52 = tpu.memref_slice %arg4[%add3A_12, %dma_start3A_51] : memref<16384x256xf32, #tpu.memory_space<hbm>> -> memref<128x256xf32, #tpu.memory_space<hbm>>
      tpu.enqueue_dma source(%arg6 : memref<128x256xf32, #tpu.memory_space<vmem>>) target(%dma_start3A_52 : memref<128x256xf32, #tpu.memory_space<hbm>>) target_semaphore(%run_scoped3A : memref<!tpu.dma_semaphore, #tpu.memory_space<semaphore_mem>>)
      %dma_wait3A_53 = arith.constant 0 : i32
      %dma_wait3A_54 = tpu.memref_slice %arg4[%add3A_12, %dma_wait3A_53] : memref<16384x256xf32, #tpu.memory_space<hbm>> -> memref<128x256xf32, #tpu.memory_space<hbm>>
      %dma_wait3A_55 = arith.constant 0 : i32
      %dma_wait3A_56 = tpu.memref_slice %arg4[%add3A_12, %dma_wait3A_55] : memref<16384x256xf32, #tpu.memory_space<hbm>> -> memref<128x256xf32, #tpu.memory_space<hbm>>
      tpu.wait_dma2 semaphore(%run_scoped3A : memref<!tpu.dma_semaphore, #tpu.memory_space<semaphore_mem>>) src(%arg6 : memref<128x256xf32, #tpu.memory_space<vmem>>) dst(%dma_wait3A_56 : memref<128x256xf32, #tpu.memory_space<hbm>>)
      tpu.yield
    }) : () -> ()
    %dma_start3A_13 = arith.constant 128 : i32
    %dma_start3A_14 = tpu.memref_slice %arg5[%dma_start3A_13] : memref<512xi32, #tpu.memory_space<vmem>> -> memref<128xi32, #tpu.memory_space<vmem>>
    %dma_start3A_15 = arith.constant 0 : i32
    %dma_start3A_16 = arith.constant 0 : i32
    %dma_start3A_17 = tpu.memref_slice %arg2[%dma_start3A_15, %dma_start3A_16] : memref<8192x256xf32, #tpu.memory_space<hbm>> -> memref<8192x256xf32, #tpu.memory_space<hbm>>
    tpu.enqueue_indirect_dma source(%dma_start3A_17 : memref<8192x256xf32, #tpu.memory_space<hbm>>) target(%arg6 : memref<128x256xf32, #tpu.memory_space<vmem>>) offsets(%dma_start3A_14 : memref<128xi32, #tpu.memory_space<vmem>>) semaphore(%arg7 : memref<!tpu.dma_semaphore, #tpu.memory_space<semaphore_mem>>)
    %dma_wait3A_18 = arith.constant 128 : i32
    %dma_wait3A_19 = tpu.memref_slice %arg5[%dma_wait3A_18] : memref<512xi32, #tpu.memory_space<vmem>> -> memref<128xi32, #tpu.memory_space<vmem>>
    %dma_wait3A_20 = arith.constant 0 : i32
    %dma_wait3A_21 = arith.constant 0 : i32
    %dma_wait3A_22 = tpu.memref_slice %arg2[%dma_wait3A_20, %dma_wait3A_21] : memref<8192x256xf32, #tpu.memory_space<hbm>> -> memref<8192x256xf32, #tpu.memory_space<hbm>>
    tpu.wait_indirect_dma semaphore(%arg7 : memref<!tpu.dma_semaphore, #tpu.memory_space<semaphore_mem>>) src(%dma_wait3A_22 : memref<8192x256xf32, #tpu.memory_space<hbm>>) dst(%arg6 : memref<128x256xf32, #tpu.memory_space<vmem>>)
    %add3A_23 = arith.constant 128 : i32
    %add3A_24 = arith.addi %mul3A_2, %add3A_23 : i32
    "tpu.region"() ({
      %run_scoped3A = tpu.sem_alloc : memref<!tpu.dma_semaphore, #tpu.memory_space<semaphore_mem>>
      %dma_start3A_49 = arith.constant 0 : i32
      %dma_start3A_50 = tpu.memref_slice %arg4[%add3A_24, %dma_start3A_49] : memref<16384x256xf32, #tpu.memory_space<hbm>> -> memref<128x256xf32, #tpu.memory_space<hbm>>
      %dma_start3A_51 = arith.constant 0 : i32
      %dma_start3A_52 = tpu.memref_slice %arg4[%add3A_24, %dma_start3A_51] : memref<16384x256xf32, #tpu.memory_space<hbm>> -> memref<128x256xf32, #tpu.memory_space<hbm>>
      tpu.enqueue_dma source(%arg6 : memref<128x256xf32, #tpu.memory_space<vmem>>) target(%dma_start3A_52 : memref<128x256xf32, #tpu.memory_space<hbm>>) target_semaphore(%run_scoped3A : memref<!tpu.dma_semaphore, #tpu.memory_space<semaphore_mem>>)
      %dma_wait3A_53 = arith.constant 0 : i32
      %dma_wait3A_54 = tpu.memref_slice %arg4[%add3A_24, %dma_wait3A_53] : memref<16384x256xf32, #tpu.memory_space<hbm>> -> memref<128x256xf32, #tpu.memory_space<hbm>>
      %dma_wait3A_55 = arith.constant 0 : i32
      %dma_wait3A_56 = tpu.memref_slice %arg4[%add3A_24, %dma_wait3A_55] : memref<16384x256xf32, #tpu.memory_space<hbm>> -> memref<128x256xf32, #tpu.memory_space<hbm>>
      tpu.wait_dma2 semaphore(%run_scoped3A : memref<!tpu.dma_semaphore, #tpu.memory_space<semaphore_mem>>) src(%arg6 : memref<128x256xf32, #tpu.memory_space<vmem>>) dst(%dma_wait3A_56 : memref<128x256xf32, #tpu.memory_space<hbm>>)
      tpu.yield
    }) : () -> ()
    %dma_start3A_25 = arith.constant 256 : i32
    %dma_start3A_26 = tpu.memref_slice %arg5[%dma_start3A_25] : memref<512xi32, #tpu.memory_space<vmem>> -> memref<128xi32, #tpu.memory_space<vmem>>
    %dma_start3A_27 = arith.constant 0 : i32
    %dma_start3A_28 = arith.constant 0 : i32
    %dma_start3A_29 = tpu.memref_slice %arg2[%dma_start3A_27, %dma_start3A_28] : memref<8192x256xf32, #tpu.memory_space<hbm>> -> memref<8192x256xf32, #tpu.memory_space<hbm>>
    tpu.enqueue_indirect_dma source(%dma_start3A_29 : memref<8192x256xf32, #tpu.memory_space<hbm>>) target(%arg6 : memref<128x256xf32, #tpu.memory_space<vmem>>) offsets(%dma_start3A_26 : memref<128xi32, #tpu.memory_space<vmem>>) semaphore(%arg7 : memref<!tpu.dma_semaphore, #tpu.memory_space<semaphore_mem>>)
    %dma_wait3A_30 = arith.constant 256 : i32
    %dma_wait3A_31 = tpu.memref_slice %arg5[%dma_wait3A_30] : memref<512xi32, #tpu.memory_space<vmem>> -> memref<128xi32, #tpu.memory_space<vmem>>
    %dma_wait3A_32 = arith.constant 0 : i32
    %dma_wait3A_33 = arith.constant 0 : i32
    %dma_wait3A_34 = tpu.memref_slice %arg2[%dma_wait3A_32, %dma_wait3A_33] : memref<8192x256xf32, #tpu.memory_space<hbm>> -> memref<8192x256xf32, #tpu.memory_space<hbm>>
    tpu.wait_indirect_dma semaphore(%arg7 : memref<!tpu.dma_semaphore, #tpu.memory_space<semaphore_mem>>) src(%dma_wait3A_34 : memref<8192x256xf32, #tpu.memory_space<hbm>>) dst(%arg6 : memref<128x256xf32, #tpu.memory_space<vmem>>)
    %add3A_35 = arith.constant 256 : i32
    %add3A_36 = arith.addi %mul3A_2, %add3A_35 : i32
    "tpu.region"() ({
      %run_scoped3A = tpu.sem_alloc : memref<!tpu.dma_semaphore, #tpu.memory_space<semaphore_mem>>
      %dma_start3A_49 = arith.constant 0 : i32
      %dma_start3A_50 = tpu.memref_slice %arg4[%add3A_36, %dma_start3A_49] : memref<16384x256xf32, #tpu.memory_space<hbm>> -> memref<128x256xf32, #tpu.memory_space<hbm>>
      %dma_start3A_51 = arith.constant 0 : i32
      %dma_start3A_52 = tpu.memref_slice %arg4[%add3A_36, %dma_start3A_51] : memref<16384x256xf32, #tpu.memory_space<hbm>> -> memref<128x256xf32, #tpu.memory_space<hbm>>
      tpu.enqueue_dma source(%arg6 : memref<128x256xf32, #tpu.memory_space<vmem>>) target(%dma_start3A_52 : memref<128x256xf32, #tpu.memory_space<hbm>>) target_semaphore(%run_scoped3A : memref<!tpu.dma_semaphore, #tpu.memory_space<semaphore_mem>>)
      %dma_wait3A_53 = arith.constant 0 : i32
      %dma_wait3A_54 = tpu.memref_slice %arg4[%add3A_36, %dma_wait3A_53] : memref<16384x256xf32, #tpu.memory_space<hbm>> -> memref<128x256xf32, #tpu.memory_space<hbm>>
      %dma_wait3A_55 = arith.constant 0 : i32
      %dma_wait3A_56 = tpu.memref_slice %arg4[%add3A_36, %dma_wait3A_55] : memref<16384x256xf32, #tpu.memory_space<hbm>> -> memref<128x256xf32, #tpu.memory_space<hbm>>
      tpu.wait_dma2 semaphore(%run_scoped3A : memref<!tpu.dma_semaphore, #tpu.memory_space<semaphore_mem>>) src(%arg6 : memref<128x256xf32, #tpu.memory_space<vmem>>) dst(%dma_wait3A_56 : memref<128x256xf32, #tpu.memory_space<hbm>>)
      tpu.yield
    }) : () -> ()
    %dma_start3A_37 = arith.constant 384 : i32
    %dma_start3A_38 = tpu.memref_slice %arg5[%dma_start3A_37] : memref<512xi32, #tpu.memory_space<vmem>> -> memref<128xi32, #tpu.memory_space<vmem>>
    %dma_start3A_39 = arith.constant 0 : i32
    %dma_start3A_40 = arith.constant 0 : i32
    %dma_start3A_41 = tpu.memref_slice %arg2[%dma_start3A_39, %dma_start3A_40] : memref<8192x256xf32, #tpu.memory_space<hbm>> -> memref<8192x256xf32, #tpu.memory_space<hbm>>
    tpu.enqueue_indirect_dma source(%dma_start3A_41 : memref<8192x256xf32, #tpu.memory_space<hbm>>) target(%arg6 : memref<128x256xf32, #tpu.memory_space<vmem>>) offsets(%dma_start3A_38 : memref<128xi32, #tpu.memory_space<vmem>>) semaphore(%arg7 : memref<!tpu.dma_semaphore, #tpu.memory_space<semaphore_mem>>)
    %dma_wait3A_42 = arith.constant 384 : i32
    %dma_wait3A_43 = tpu.memref_slice %arg5[%dma_wait3A_42] : memref<512xi32, #tpu.memory_space<vmem>> -> memref<128xi32, #tpu.memory_space<vmem>>
    %dma_wait3A_44 = arith.constant 0 : i32
    %dma_wait3A_45 = arith.constant 0 : i32
    %dma_wait3A_46 = tpu.memref_slice %arg2[%dma_wait3A_44, %dma_wait3A_45] : memref<8192x256xf32, #tpu.memory_space<hbm>> -> memref<8192x256xf32, #tpu.memory_space<hbm>>
    tpu.wait_indirect_dma semaphore(%arg7 : memref<!tpu.dma_semaphore, #tpu.memory_space<semaphore_mem>>) src(%dma_wait3A_46 : memref<8192x256xf32, #tpu.memory_space<hbm>>) dst(%arg6 : memref<128x256xf32, #tpu.memory_space<vmem>>)
    %add3A_47 = arith.constant 384 : i32
    %add3A_48 = arith.addi %mul3A_2, %add3A_47 : i32
    "tpu.region"() ({
      %run_scoped3A = tpu.sem_alloc : memref<!tpu.dma_semaphore, #tpu.memory_space<semaphore_mem>>
      %dma_start3A_49 = arith.constant 0 : i32
      %dma_start3A_50 = tpu.memref_slice %arg4[%add3A_48, %dma_start3A_49] : memref<16384x256xf32, #tpu.memory_space<hbm>> -> memref<128x256xf32, #tpu.memory_space<hbm>>
      %dma_start3A_51 = arith.constant 0 : i32
      %dma_start3A_52 = tpu.memref_slice %arg4[%add3A_48, %dma_start3A_51] : memref<16384x256xf32, #tpu.memory_space<hbm>> -> memref<128x256xf32, #tpu.memory_space<hbm>>
      tpu.enqueue_dma source(%arg6 : memref<128x256xf32, #tpu.memory_space<vmem>>) target(%dma_start3A_52 : memref<128x256xf32, #tpu.memory_space<hbm>>) target_semaphore(%run_scoped3A : memref<!tpu.dma_semaphore, #tpu.memory_space<semaphore_mem>>)
      %dma_wait3A_53 = arith.constant 0 : i32
      %dma_wait3A_54 = tpu.memref_slice %arg4[%add3A_48, %dma_wait3A_53] : memref<16384x256xf32, #tpu.memory_space<hbm>> -> memref<128x256xf32, #tpu.memory_space<hbm>>
      %dma_wait3A_55 = arith.constant 0 : i32
      %dma_wait3A_56 = tpu.memref_slice %arg4[%add3A_48, %dma_wait3A_55] : memref<16384x256xf32, #tpu.memory_space<hbm>> -> memref<128x256xf32, #tpu.memory_space<hbm>>
      tpu.wait_dma2 semaphore(%run_scoped3A : memref<!tpu.dma_semaphore, #tpu.memory_space<semaphore_mem>>) src(%arg6 : memref<128x256xf32, #tpu.memory_space<vmem>>) dst(%dma_wait3A_56 : memref<128x256xf32, #tpu.memory_space<hbm>>)
      tpu.yield
    }) : () -> ()
    return
  }
}

module attributes {stable_mosaic.version = 14 : i64} {
  func.func @_argmin_body(%arg0: i32, %arg1: i32, %arg2: memref<8192x256xf32, #tpu.memory_space<vmem>>, %arg3: memref<8192x256xf32, #tpu.memory_space<vmem>>, %arg4: memref<8192x1xi32, #tpu.memory_space<vmem>>, %arg5: memref<8192x1xf32, #tpu.memory_space<vmem>>, %arg6: memref<1x8192xf32, #tpu.memory_space<vmem>>) attributes {dimension_semantics = [#tpu.dimension_semantics<arbitrary>, #tpu.dimension_semantics<arbitrary>], iteration_bounds = array<i64: 2, 16>, scalar_prefetch = 0 : i64, scratch_operands = 2 : i64, tpu.core_type = #tpu.core_type<tc>, window_params = [{transform_indices = @transform_0, window_bounds = array<i64: 8192, 256>}, {pipeline_mode = #tpu.pipeline_mode<synchronous>, transform_indices = @transform_1, window_bounds = array<i64: 8192, 256>}, {transform_indices = @transform_2, window_bounds = array<i64: 8192, 1>}]} {
    %mul3A = arith.constant 512 : i32
    %mul3A_0 = arith.muli %arg1, %mul3A : i32
    %get3A = arith.index_cast %mul3A_0 : i32 to index
    %get3A_1 = arith.constant 0 : index
    %get3A_2 = vector.load %arg3[%get3A, %get3A_1] : memref<8192x256xf32, #tpu.memory_space<vmem>>, vector<512x256xf32>
    %convert_element_type3A = arith.truncf %get3A_2 : vector<512x256xf32> to vector<512x256xbf16>
    %eq3A = arith.constant 0 : i32
    %eq3A_3 = arith.cmpi eq, %arg0, %eq3A : i32
    %convert_element_type3A_4 = arith.extui %eq3A_3 : i1 to i32
    %cond3A = arith.constant 0 : i32
    %cond3A_5 = arith.cmpi ne, %convert_element_type3A_4, %cond3A : i32
    scf.if %cond3A_5 {
      %broadcast_in_dim3A_40 = arith.constant 5.000000e-01 : bf16
      %broadcast_in_dim3A_41 = vector.broadcast %broadcast_in_dim3A_40 : bf16 to vector<1x256xbf16>
      %mul3A_42 = arith.mulf %convert_element_type3A, %convert_element_type3A : vector<512x256xbf16>
      %dot_general3A_43 = arith.constant dense<0.000000e+00> : vector<1x512xf32>
      %dot_general3A_44 = tpu.matmul %broadcast_in_dim3A_41, %mul3A_42, %dot_general3A_43 {dimension_numbers = #tpu.dot_dimension_numbers<[1], [1], [0], [0], [0, 0, 1, 0], [], []>, transpose_lhs_hint = false} : vector<1x256xbf16>, vector<512x256xbf16>, vector<1x512xf32> -> vector<1x512xf32>
      %mul3A_45 = arith.constant 512 : i32
      %mul3A_46 = arith.muli %arg1, %mul3A_45 : i32
      %swap3A = arith.constant 0 : index
      %swap3A_47 = arith.index_cast %mul3A_46 : i32 to index
      %swap3A_48 = vector.load %arg6[%swap3A, %swap3A_47] : memref<1x8192xf32, #tpu.memory_space<vmem>>, vector<1x512xf32>
      tpu.vector_store %arg6[%swap3A, %swap3A_47], %dot_general3A_44 {strides = array<i32>} : memref<1x8192xf32, #tpu.memory_space<vmem>>, vector<1x512xf32>,
    } else {
    }
    %get3A_6 = arith.constant 0 : index
    %get3A_7 = arith.constant 0 : index
    %get3A_8 = vector.load %arg2[%get3A_6, %get3A_7] : memref<8192x256xf32, #tpu.memory_space<vmem>>, vector<8192x256xf32>
    %convert_element_type3A_9 = arith.truncf %get3A_8 : vector<8192x256xf32> to vector<8192x256xbf16>
    %dot_general3A = arith.constant dense<0.000000e+00> : vector<8192x512xf32>
    %dot_general3A_10 = tpu.matmul %convert_element_type3A_9, %convert_element_type3A, %dot_general3A {dimension_numbers = #tpu.dot_dimension_numbers<[1], [1], [0], [0], [0, 0, 1, 0], [], []>, transpose_lhs_hint = false} : vector<8192x256xbf16>, vector<512x256xbf16>, vector<8192x512xf32> -> vector<8192x512xf32>
    %mul3A_11 = arith.constant 512 : i32
    %mul3A_12 = arith.muli %arg1, %mul3A_11 : i32
    %get3A_13 = arith.constant 0 : index
    %get3A_14 = arith.index_cast %mul3A_12 : i32 to index
    %get3A_15 = vector.load %arg6[%get3A_13, %get3A_14] : memref<1x8192xf32, #tpu.memory_space<vmem>>, vector<1x512xf32>
    %sub3A = vector.broadcast %get3A_15 : vector<1x512xf32> to vector<8192x512xf32>
    %sub3A_16 = arith.subf %dot_general3A_10, %sub3A : vector<8192x512xf32>
    %iota3A = tpu.iota {dimensions = array<i32: 1>} : vector<1x512xi32>
    %mul3A_17 = arith.constant 512 : i32
    %mul3A_18 = arith.muli %arg1, %mul3A_17 : i32
    %or3A = vector.broadcast %mul3A_18 : i32 to vector<1x512xi32>
    %or3A_19 = arith.ori %iota3A, %or3A : vector<1x512xi32>
    %bitcast_convert_type3A = tpu.bitcast %sub3A_16 : vector<8192x512xf32> -> vector<8192x512xi32>
    %and3A = arith.constant -8192 : i32
    %and3A_20 = vector.broadcast %and3A : i32 to vector<8192x512xi32>
    %and3A_21 = arith.andi %bitcast_convert_type3A, %and3A_20 : vector<8192x512xi32>
    %or3A_22 = vector.broadcast %or3A_19 : vector<1x512xi32> to vector<8192x512xi32>
    %or3A_23 = arith.ori %and3A_21, %or3A_22 : vector<8192x512xi32>
    %bitcast_convert_type3A_24 = tpu.bitcast %or3A_23 : vector<8192x512xi32> -> vector<8192x512xf32>
    %reduce_max3A = arith.constant dense<0xFF800000> : vector<8192xf32>
    %reduce_max3A_25 = vector.multi_reduction <maximumf>, %bitcast_convert_type3A_24, %reduce_max3A [1] : vector<8192x512xf32> to vector<8192xf32>
    %broadcast_in_dim3A = vector.shape_cast %reduce_max3A_25 : vector<8192xf32> to vector<8192x1xf32>
    %eq3A_26 = arith.constant 0 : i32
    %eq3A_27 = arith.cmpi eq, %arg1, %eq3A_26 : i32
    %convert_element_type3A_28 = arith.extui %eq3A_27 : i1 to i32
    %cond3A_29 = arith.constant 0 : i32
    %cond3A_30 = arith.cmpi ne, %convert_element_type3A_28, %cond3A_29 : i32
    scf.if %cond3A_30 {
      %swap3A = arith.constant 0 : index
      %swap3A_40 = arith.constant 0 : index
      %swap3A_41 = vector.load %arg5[%swap3A, %swap3A_40] : memref<8192x1xf32, #tpu.memory_space<vmem>>, vector<8192x1xf32>
      tpu.vector_store %arg5[%swap3A, %swap3A_40], %broadcast_in_dim3A {strides = array<i32>} : memref<8192x1xf32, #tpu.memory_space<vmem>>, vector<8192x1xf32>,
    } else {
    }
    %gt3A = arith.constant 0 : i32
    %gt3A_31 = arith.cmpi sgt, %arg1, %gt3A : i32
    %convert_element_type3A_32 = arith.extui %gt3A_31 : i1 to i32
    %cond3A_33 = arith.constant 0 : i32
    %cond3A_34 = arith.cmpi ne, %convert_element_type3A_32, %cond3A_33 : i32
    scf.if %cond3A_34 {
      %get3A_40 = arith.constant 0 : index
      %get3A_41 = arith.constant 0 : index
      %get3A_42 = vector.load %arg5[%get3A_40, %get3A_41] : memref<8192x1xf32, #tpu.memory_space<vmem>>, vector<8192x1xf32>
      %max3A = arith.maximumf %get3A_42, %broadcast_in_dim3A : vector<8192x1xf32>
      %swap3A = arith.constant 0 : index
      %swap3A_43 = arith.constant 0 : index
      %swap3A_44 = vector.load %arg5[%swap3A, %swap3A_43] : memref<8192x1xf32, #tpu.memory_space<vmem>>, vector<8192x1xf32>
      tpu.vector_store %arg5[%swap3A, %swap3A_43], %max3A {strides = array<i32>} : memref<8192x1xf32, #tpu.memory_space<vmem>>, vector<8192x1xf32>,
    } else {
    }
    %eq3A_35 = arith.constant 15 : i32
    %eq3A_36 = arith.cmpi eq, %arg1, %eq3A_35 : i32
    %convert_element_type3A_37 = arith.extui %eq3A_36 : i1 to i32
    %cond3A_38 = arith.constant 0 : i32
    %cond3A_39 = arith.cmpi ne, %convert_element_type3A_37, %cond3A_38 : i32
    scf.if %cond3A_39 {
      %get3A_40 = arith.constant 0 : index
      %get3A_41 = arith.constant 0 : index
      %get3A_42 = vector.load %arg5[%get3A_40, %get3A_41] : memref<8192x1xf32, #tpu.memory_space<vmem>>, vector<8192x1xf32>
      %bitcast_convert_type3A_43 = tpu.bitcast %get3A_42 : vector<8192x1xf32> -> vector<8192x1xi32>
      %and3A_44 = arith.constant 8191 : i32
      %and3A_45 = vector.broadcast %and3A_44 : i32 to vector<8192x1xi32>
      %and3A_46 = arith.andi %bitcast_convert_type3A_43, %and3A_45 : vector<8192x1xi32>
      %swap3A = arith.constant 0 : index
      %swap3A_47 = arith.constant 0 : index
      %swap3A_48 = vector.load %arg4[%swap3A, %swap3A_47] : memref<8192x1xi32, #tpu.memory_space<vmem>>, vector<8192x1xi32>
      tpu.vector_store %arg4[%swap3A, %swap3A_47], %and3A_46 {strides = array<i32>} : memref<8192x1xi32, #tpu.memory_space<vmem>>, vector<8192x1xi32>,
    } else {
    }
    return
  }
  func.func @transform_0(%arg0: i32, %arg1: i32) -> (i32, i32) {
    %c0_i32 = arith.constant 0 : i32
    %c0_i32_0 = arith.constant 0 : i32
    return %arg0, %c0_i32 : i32, i32
  }
  func.func @transform_1(%arg0: i32, %arg1: i32) -> (i32, i32) {
    %c0_i32 = arith.constant 0 : i32
    %c0_i32_0 = arith.constant 0 : i32
    %c0_i32_1 = arith.constant 0 : i32
    return %c0_i32, %c0_i32_0 : i32, i32
  }
  func.func @transform_2(%arg0: i32, %arg1: i32) -> (i32, i32) {
    %c0_i32 = arith.constant 0 : i32
    %c0_i32_0 = arith.constant 0 : i32
    return %arg0, %c0_i32 : i32, i32
  }
}

module attributes {stable_mosaic.version = 14 : i64} {
  func.func @_proj_body(%arg0: i32, %arg1: memref<1024x256xf32, #tpu.memory_space<vmem>>, %arg2: memref<1024x256xf32, #tpu.memory_space<vmem>>, %arg3: memref<256x256xf32, #tpu.memory_space<vmem>>, %arg4: memref<1x256xf32, #tpu.memory_space<vmem>>, %arg5: memref<1024x256xf32, #tpu.memory_space<vmem>>) attributes {dimension_semantics = [#tpu.dimension_semantics<arbitrary>], iteration_bounds = array<i64: 16>, scalar_prefetch = 0 : i64, scratch_operands = 0 : i64, tpu.core_type = #tpu.core_type<tc>, window_params = [{transform_indices = @transform_0, window_bounds = array<i64: 1024, 256>}, {transform_indices = @transform_1, window_bounds = array<i64: 1024, 256>}, {pipeline_mode = #tpu.pipeline_mode<synchronous>, transform_indices = @transform_2, window_bounds = array<i64: 256, 256>}, {pipeline_mode = #tpu.pipeline_mode<synchronous>, transform_indices = @transform_3, window_bounds = array<i64: 1, 256>}, {transform_indices = @transform_4, window_bounds = array<i64: 1024, 256>}]} {
    %get3A = arith.constant 0 : index
    %get3A_0 = arith.constant 0 : index
    %get3A_1 = vector.load %arg1[%get3A, %get3A_0] : memref<1024x256xf32, #tpu.memory_space<vmem>>, vector<1024x256xf32>
    %get3A_2 = arith.constant 0 : index
    %get3A_3 = arith.constant 0 : index
    %get3A_4 = vector.load %arg2[%get3A_2, %get3A_3] : memref<1024x256xf32, #tpu.memory_space<vmem>>, vector<1024x256xf32>
    %sub3A = arith.subf %get3A_1, %get3A_4 : vector<1024x256xf32>
    %get3A_5 = arith.constant 0 : index
    %get3A_6 = arith.constant 0 : index
    %get3A_7 = vector.load %arg4[%get3A_5, %get3A_6] : memref<1x256xf32, #tpu.memory_space<vmem>>, vector<1x256xf32>
    %add3A = vector.broadcast %get3A_7 : vector<1x256xf32> to vector<1024x256xf32>
    %add3A_8 = arith.addf %get3A_1, %add3A : vector<1024x256xf32>
    %get3A_9 = arith.constant 0 : index
    %get3A_10 = arith.constant 0 : index
    %get3A_11 = vector.load %arg3[%get3A_9, %get3A_10] : memref<256x256xf32, #tpu.memory_space<vmem>>, vector<256x256xf32>
    %dot_general3A = arith.constant dense<0.000000e+00> : vector<1024x256xf32>
    %dot_general3A_12 = tpu.matmul %sub3A, %get3A_11, %dot_general3A {dimension_numbers = #tpu.dot_dimension_numbers<[1], [1], [0], [0], [0, 0, 1, 0], [], []>, transpose_lhs_hint = false} : vector<1024x256xf32>, vector<256x256xf32>, vector<1024x256xf32> -> vector<1024x256xf32>
    %add3A_13 = arith.addf %add3A_8, %dot_general3A_12 : vector<1024x256xf32>
    %swap3A = arith.constant 0 : index
    %swap3A_14 = arith.constant 0 : index
    %swap3A_15 = vector.load %arg5[%swap3A, %swap3A_14] : memref<1024x256xf32, #tpu.memory_space<vmem>>, vector<1024x256xf32>
    tpu.vector_store %arg5[%swap3A, %swap3A_14], %add3A_13 {strides = array<i32>} : memref<1024x256xf32, #tpu.memory_space<vmem>>, vector<1024x256xf32>,
    return
  }
  func.func @transform_0(%arg0: i32) -> (i32, i32) {
    %c0_i32 = arith.constant 0 : i32
    %c0_i32_0 = arith.constant 0 : i32
    return %arg0, %c0_i32 : i32, i32
  }
  func.func @transform_1(%arg0: i32) -> (i32, i32) {
    %c0_i32 = arith.constant 0 : i32
    %c0_i32_0 = arith.constant 0 : i32
    return %arg0, %c0_i32 : i32, i32
  }
  func.func @transform_2(%arg0: i32) -> (i32, i32) {
    %c0_i32 = arith.constant 0 : i32
    %c0_i32_0 = arith.constant 0 : i32
    %c0_i32_1 = arith.constant 0 : i32
    return %c0_i32, %c0_i32_0 : i32, i32
  }
  func.func @transform_3(%arg0: i32) -> (i32, i32) {
    %c0_i32 = arith.constant 0 : i32
    %c0_i32_0 = arith.constant 0 : i32
    %c0_i32_1 = arith.constant 0 : i32
    return %c0_i32, %c0_i32_0 : i32, i32
  }
  func.func @transform_4(%arg0: i32) -> (i32, i32) {
    %c0_i32 = arith.constant 0 : i32
    %c0_i32_0 = arith.constant 0 : i32
    return %arg0, %c0_i32 : i32, i32
  }
}

</mosaic_0001>

<sc_bundles>
// kernel: kernel.5.cloned.1.call-start
scs
__scs_entry_jumppad:
0x0: {  	(pc) =	sbr.rel $0x88, $3  }
0x1: {  	(tag) =	ssettag $0x0;
	lr =	simm.s32 $0x1  }
0x2: {  	[smem:$0x3F9D] =	sst lr;
	_ =	strace $0xD0000000  }
0x3: {  	_ = 	snop  }
0x4: {  	_ = 	snop  }
0x5: {  	_ = 	snop  }
0x6: {  	_ = 	snop  }
0x7: {  	_ = 	snop  }
__scs_overlays_trampoline_lowered:
0x8: {  	[smem:$0x3FAC] =	sst s0  }
0x9: {  	[smem:$0x3FAD] =	sst s1  }
0xa: {  	[smem:$0x3FAE] =	sst s2  }
0xb: {  	[smem:$0x3FAF] =	sst s3  }
0xc: {  	[smem:$0x3FB0] =	sst s4  }
0xd: {  	[smem:$0x3FB1] =	sst s5  }
0xe: {  	[smem:$0x3FB2] =	sst s6  }
0xf: {  	[smem:$0x3FB3] =	sst s7  }
0x10: {  	[smem:$0x3FB4] =	sst s8  }
0x11: {  	[smem:$0x3FB5] =	sst s9;
	s0 =	simm.s32 @!p0 $0x0  }
0x12: {  	s1 =	sld [smem:$0x3F9B];
	s0 =	simm.s32 @p0 $0x1  }
0x13: {  	[smem:$0x3FB6] =	sst s0;
	s0 =	simm.s32 @!p1 $0x0  }
0x14: {  	s2 =	sld [smem:$0x3F9A];
	s0 =	simm.s32 @p1 $0x1  }
0x15: {  	[smem:$0x3FB7] =	sst s0;
	s0 =	simm.s32 @!p2 $0x0  }
0x16: {  	s3 =	sld [smem:$0x3FDB];
	s0 =	simm.s32 @p2 $0x1  }
0x17: {  	s4 =	simm.s32 $0x1BF5;
	[smem:$0x3FB9] =	sst s0  }
0x18: {  	s0 =	sld [smem:$0x3F9C];
	_ =	swait.ge [sflag:s4], $0x0  }
0x19: {  	s7 =	sld [smem:$0x3F9D]  }
0x1a: {  	s8 =	sadd.s32 $0xFFFFE003, lr  }
0x1b: {  	s9 =	sadd.s32 $0xFFFFFEF7, lr;
	s5 =	simm.s32 $0xFFFFFFFF;
	p2 =	slt.u32 s8, $0xFFFFF086  }
0x1c: {  	p1 =	slt.u32 s9, $0xF7A;
	s5 =	simm.s32 @!p2 $0x0  }
0x1d: {  	s5 =	simm.s32 @p1 $0x1;
	p0 =	seq.s32 s7, s2  }
0x1e: {  	s7 =	smul.u32 @!p0 $0xF7A, s2;
	p2 =	seq.s32 @!p0 s5, $0x0  }
0x1f: {  	s9 =	smul.u32 $0xF7A, s1;
	s8 =	simm.s32 @!p0 $0x1BF5;
	p2 =	por !p2, p0  }
0x20: {  	[sflag:s8] =	ssyncset.s32 @!p0 $0xFFFFF086;
	s6 =	sadd.s32 @!p0 s3, s7;
	s7 =	simm.s32 @!p0 $0x108  }
0x21: {  	s3 =	sadd.s32 s3, s9;
	s6 =	sadd.s32 @!p0 $0x88, s6;
	s7 =	simm.s32 @p2 $0x1082  }
0x22: {  	[simem:s7], [sflag:s8] =	dma.local @!p0 [hbm:s6], $0xF7A  }
0x23: {  	s9 =	sor.u32 $0xD0000000, s2;
	s6 =	simm.s32 $0x108;
	_ =	swait.ge @!p0 [sflag:s8], $0x0  }
0x24: {  	s3 =	sadd.s32 $0x88, s3;
	s6 =	simm.s32 @!p1 $0x1082;
	[sflag:s4] =	ssyncset.s32 $0xFFFFF086  }
0x25: {  	[simem:s6], [sflag:s4] =	dma.local [hbm:s3], $0xF7A  }
0x26: {  	[smem:$0x3F9D] =	sst s1;
	(tag) =	ssettag s2;
	_ =	strace s9  }
0x27: {  	s1 =	sld [smem:$0x3FAD]  }
0x28: {  	s2 =	sld [smem:$0x3FAE]  }
0x29: {  	s4 =	sld [smem:$0x3FB0]  }
0x2a: {  	p0 =	seq.s32 s5, $0x0;
	s5 =	sld [smem:$0x3FB1]  }
0x2b: {  	s6 =	sld [smem:$0x3FB2]  }
0x2c: {  	s7 =	sld [smem:$0x3FB3]  }
0x2d: {  	s3 =	simm.s32 $0x108;
	s8 =	sld [smem:$0x3FB4]  }
0x2e: {  	s3 =	simm.s32 @!p0 $0x1082;
	s9 =	sld [smem:$0x3FB5]  }
0x2f: {  	lr =	sadd.s32 s0, s3;
	s0 =	sld [smem:$0x3FAC]  }
0x30: {  	s3 =	sld [smem:$0x3FAF]  }
0x31: {  	[smem:$0x3FB8] =	sst s10  }
0x32: {  	s10 =	sld [smem:$0x3FB6];
	_ =	sdelay $0x3  }
0x33: {  	p0 =	seq.s32 s10, $0x1;
	s10 =	sld [smem:$0x3FB8];
	_ =	sdelay $0x3  }
0x34: {  	[smem:$0x3FB8] =	sst s10  }
0x35: {  	s10 =	sld [smem:$0x3FB7];
	_ =	sdelay $0x3  }
0x36: {  	p1 =	seq.s32 s10, $0x1;
	s10 =	sld [smem:$0x3FB8];
	_ =	sdelay $0x3  }
0x37: {  	[smem:$0x3FB8] =	sst s10  }
0x38: {  	s10 =	sld [smem:$0x3FB9]  }
0x39: {  	_ = 	snop;
	(pc) =	sbr.ind lr, $3  }
0x3a: {  	_ = 	snop  }
0x3b: {  	_ = 	snop  }
0x3c: {  	p2 =	seq.s32 s10, $0x1;
	s10 =	sld [smem:$0x3FB8]  }
0x3d: {  	_ =	shalt  }
0x3e: {  	_ =	shalt  }
0x3f: {  	_ =	shalt  }
0x40: {  	_ =	shalt  }
0x41: {  	_ =	shalt  }
0x42: {  	_ =	shalt  }
0x43: {  	_ =	shalt  }
0x44: {  	_ =	shalt  }
0x45: {  	_ =	shalt  }
0x46: {  	_ =	shalt  }
0x47: {  	_ =	shalt  }
0x48: {  	_ =	shalt  }
0x49: {  	_ =	shalt  }
0x4a: {  	_ =	shalt  }
0x4b: {  	_ =	shalt  }
0x4c: {  	_ =	shalt  }
0x4d: {  	_ =	shalt  }
0x4e: {  	_ =	shalt  }
0x4f: {  	_ =	shalt  }
0x50: {  	_ =	shalt  }
0x51: {  	_ =	shalt  }
0x52: {  	_ =	shalt  }
0x53: {  	_ =	shalt  }
0x54: {  	_ =	shalt  }
0x55: {  	_ =	shalt  }
0x56: {  	_ =	shalt  }
0x57: {  	_ =	shalt  }
0x58: {  	_ =	shalt  }
0x59: {  	_ =	shalt  }
0x5a: {  	_ =	shalt  }
0x5b: {  	_ =	shalt  }
0x5c: {  	_ =	shalt  }
0x5d: {  	_ =	shalt  }
0x5e: {  	_ =	shalt  }
0x5f: {  	_ =	shalt  }
0x60: {  	_ =	shalt  }
0x61: {  	_ =	shalt  }
0x62: {  	_ =	shalt  }
0x63: {  	_ =	shalt  }
0x64: {  	_ =	shalt  }
0x65: {  	_ =	shalt  }
0x66: {  	_ =	shalt  }
0x67: {  	_ =	shalt  }
0x68: {  	_ =	shalt  }
0x69: {  	_ =	shalt  }
0x6a: {  	_ =	shalt  }
0x6b: {  	_ =	shalt  }
0x6c: {  	_ =	shalt  }
0x6d: {  	_ =	shalt  }
0x6e: {  	_ =	shalt  }
0x6f: {  	_ =	shalt  }
0x70: {  	_ =	shalt  }
0x71: {  	_ =	shalt  }
0x72: {  	_ =	shalt  }
0x73: {  	_ =	shalt  }
0x74: {  	_ =	shalt  }
0x75: {  	_ =	shalt  }
0x76: {  	_ =	shalt  }
0x77: {  	_ =	shalt  }
0x78: {  	_ =	shalt  }
0x79: {  	_ =	shalt  }
0x7a: {  	_ =	shalt  }
0x7b: {  	_ =	shalt  }
0x7c: {  	_ =	shalt  }
0x7d: {  	_ =	shalt  }
0x7e: {  	_ =	shalt  }
0x7f: {  	_ =	shalt  }
0x80: {  	_ =	shalt  }
0x81: {  	_ =	shalt  }
0x82: {  	_ =	shalt  }
0x83: {  	_ =	shalt  }
0x84: {  	_ =	shalt  }
0x85: {  	_ =	shalt  }
0x86: {  	_ =	shalt  }
0x87: {  	_ =	shalt  }
.Lfunc_end0:
.L_simem_size_0:
called_computation_lowered:
.L_overlay_start_0:
0x88: {  	s2 =	sld [smem:$0x3FD9]  }
0x89: {  	s3 =	sld [smem:$0x3FFE];
	_ =	sdelay $0x1  }
0x8a: {  	s1 =	srdreg.scid  }
0x8b: {  	s0 =	sand.u32 $0x1, s1  }
0x8c: {  	s17 =	sshll.u32 s0, $0xA;
	s2 =	sadd.s32 s3, s2  }
0x8d: {  	s2 =	sadd.s32 s2, s17  }
0x8e: {  	[smem:$0x3FC4] =	sst s2  }
0x8f: {  	_ = 	snop  }
0x90: {  	s2 =	sld [smem:$0x3FC8]  }
0x91: {  	s18 =	sld [smem:$0x3FD0];
	(tm) =	ssettm $0x1  }
0x92: {  	s4 =	sld [smem:$0x3FFB];
	_ =	sdelay $0x3  }
0x93: {  	_ =	strace s4  }
0x94: {  	s4 =	sld [smem:$0x3FFC];
	_ =	sdelay $0x3  }
0x95: {  	_ =	strace s4  }
0x96: {  	s4 =	sld [smem:$0x3FFD];
	_ =	sdelay $0x3  }
0x97: {  	_ =	strace s4  }
0x98: {  	_ =	strace $0x8FFFFFFF  }
0x99: {  	s19 =	sld [smem:$0x3FDB];
	_ =	sdelay $0x1  }
0x9a: {  	s5 =	simm.s32 $_scs_section_size  }
0x9b: {  	s6 =	simm.s32 $_size__tile_overlayer_lowered;
	s7 =	simm.s32 $_tile_overlayer_lowered  }
0x9c: {  	s22 =	simm.s32 $0x1BFF;
	s21 =	sshll.u32 s7, $0x1;
	s4 =	sadd.s32 s5, s19  }
0x9d: {  	s8 =	simm.s32 $0x0;
	s20 =	sshll.u32 s6, $0x1;
	s6 =	sadd.s32 s21, s4  }
0x9e: {  	[timem:s8], [sflag:s22] =	dma.local [hbm:s6], s20  }
0x9f: {  	_ =	swait.ge [sflag:s22], s20  }
0xa0: {  	s5 =	ssub.s32 $0x0, s20;
	[sflag:s22] =	ssyncset.done $0x0  }
0xa1: {  	[sflag:s22] =	ssyncadd.s32 s5;
	_ =	sdelay $0x1  }
0xa2: {  	s23 =	simm.s32 $0x1B8B  }
0xa3: {  	_ =	swait.ge [sflag:s23], $0x1  }
0xa4: {  	[sflag:s23] =	ssyncset.done $0x0  }
0xa5: {  	s25 =	simm.s32 $0x1B8E;
	s24 =	sld [smem:$0x3FFE];
	[sflag:s23] =	ssyncadd.s32 $0xFFFFFFFF  }
0xa6: {  	s26 =	simm.s32 $execute0_lowered;
	[smem:$0x3FD2] =	sst s25  }
0xa7: {  	s6 =	sshll.u32 s26, $0x1;
	_ =	strace $0x80000046;
	[dreg:$0x1] =	wrdreg $0xFFFFFFFF  }
0xa8: {  	s28 =	simm.s32 $_size_execute0_lowered;
	s4 =	sadd.s32 s4, s6;
	[dreg:$0x0] =	wrdreg $0x0  }
0xa9: {  	s6 =	sshll.u32 s28, $0x1;
	[dreg:$0x2] =	wrdreg s4  }
0xaa: {  	[dreg:$0x3] =	wrdreg s6  }
0xab: {  	[dreg:$0x4] =	wrdreg $0xC0  }
0xac: {  	_ =	task [dreg:s8], $0x5FFFF  }
0xad: {  	[dreg:$0x1] =	wrdreg $0xFFFFFFFF  }
0xae: {  	[dreg:$0x0] =	wrdreg $0x60  }
0xaf: {  	[dreg:$0x2] =	wrdreg s2  }
0xb0: {  	[dreg:$0x3] =	wrdreg s18  }
0xb1: {  	[dreg:$0x4] =	wrdreg s24  }
0xb2: {  	[dreg:$0x5] =	wrdreg $0x9  }
0xb3: {  	_ =	task.clear_ibuf [dreg:s8], $0x6FFFF;
	_ =	strace $0x90000046  }
0xb4: {  	s29 =	simm.s32 $0x9;
	_ =	strace $0x80000048  }
0xb5: {  	_ =	swait.ge [sflag:s29], $0x1  }
0xb6: {  	[sflag:s29] =	ssyncadd.s32 $0xFFFFFFFF  }
0xb7: {  	_ =	strace $0x90000048  }
0xb8: {  	_ =	sfence  }
0xb9: {  	s30 =	sld [smem:$0x0];
	_ =	sdelay $0x2  }
0xba: {  	s31 =	sshll.u32 s1, $0xD;
	s1 =	sshrl.u32 s1, $0x2  }
0xbb: {  	s3 =	sand.u32 $0x4000, s31;
	s1 =	sadd.s32 s1, s30  }
0xbc: {  	s0 =	sor.u32 s3, s0;
	s1 =	sshll.u32 s1, $0x11  }
0xbd: {  	s0 =	sor.u32 s1, s0  }
0xbe: {  	s0 =	sadd.s32 $0x8F2B, s0  }
0xbf: {  	[sflag:s0] =	ssyncadd.remote.s32 $0x1  }
0xc0: {  	_ =	sfence.sel $0xFFFF  }
0xc1: {  	[dreg:$0x0] =	wrdreg $0xFFFFFFFF;
	(pc) =	sbr.abs _section_cstart, $3  }
0xc2: {  	[dreg:$0x1] =	wrdreg $0xFFFFFFFF  }
0xc3: {  	_ =	task.clear_ibuf [dreg:s8], $0x2FFFF;
	_ =	strace $0x9FFFFFFF  }
0xc4: {  	(tm) =	ssettm $0x7FFFFFFF  }
0xc5: {  	_ =	shalt  }
tec
execute0_lowered:
.L_overlay_start_1:
0x0: {  	(tag) =	ssettag $0x1  }
0x1: {  	s1 =	rddreg [dreg:$0x0]  }
0x2: {  	s4 =	rddreg [dreg:$0x1]  }
0x3: {  	s5 =	rddreg [dreg:$0x2];
	s3 =	srdreg.scid  }
0x4: {  	s0 =	rddreg [dreg:$0x3];
	s2 =	stileid.u32;
	s10 =	simm.s32 $0x2  }
0x5: {  	s11 =	simm.s32 $0x200;
	s12 =	simm.s32 $0xA00;
	s13 =	simm.s32 $0x1200  }
0x6: {  	s14 =	simm.s32 $0x1A00;
	s15 =	simm.s32 $0x2200;
	s16 =	simm.s32 $0x2A00  }
0x7: {  	s17 =	simm.s32 $0x3200;
	s18 =	simm.s32 $0x3A00;
	s19 =	simm.s32 $0x4200  }
0x8: {  	s20 =	simm.s32 $0x4A00;
	s21 =	simm.s32 $0x5200;
	s22 =	simm.s32 $0x5A00  }
0x9: {  	s23 =	simm.s32 $0x6200;
	s24 =	simm.s32 $0x6A00;
	s25 =	simm.s32 $0x7200  }
0xa: {  	s26 =	simm.s32 $0x7A00;
	s28 =	simm.s32 $0x1;
	s6 =	sand.u32 $0x1, s3  }
0xb: {  	s3 =	simm.s32 $0x0;
	s7 =	sshll.u32 s2, $0xA;
	s8 =	sshll.u32 s6, $0x9  }
0xc: {  	[smem:$0x7FF] =	sst s3;
	s6 =	ssub.s32 $0x2, s6;
	s7 =	sor.u32 s8, s7  }
0xd: {  	_ =	strace $0x80000047;
	s9 =	sshrl.u32 s6, $0x1;
	s8 =	sshll.u32 s7, $0x5  }
0xe: {  	v2 =	vlaneseq.u32;
	s9 =	ssub.s32 s6, s9;
	s31 =	sshrl.u32 s7, $0x3;
	s8 =	sadd.s32 s8, s5  }
0xf: {  	vm0 =	vmmov $0xffff;
	v1 =	vshrl.u32 v2, $0x3;
	s4 =	sadd.s32 s4, s31;
	s9 =	smax.u32 s9, $0x1;
	s5 =	sadd.s32 $0x1600, s8  }
0x10: {  	v0 =	vand.u32 $0x7, v2;
	v2 =	vor.u32 $0x8, v2;
	v1 =	vmul.u32 $0x8, v1;
	s6 =	sadd.s32 $0x2600, s8;
	s7 =	sadd.s32 $0x3600, s8;
	s8 =	sadd.s32 $0x4600, s8  }
.LBB2_1:
0x11: {  	[tilespmem:s3], [sflag:$0x2] =	stream.linear.gather [hbm4b:s4+s3], $0x200, $0x38;
	[tilespmem:$0x8200] =	vst v63  }
0x12: {  	_ =	swait.ge [sflag:s10], $0x200  }
0x13: {  	[sflag:s10] =	ssyncset.done $0x0  }
0x14: {  	[sflag:s10] =	ssyncadd.s32 $0xFFFFFE00  }
0x15: {  	v3 =	vld [tilespmem:$0x0];
	_ =	sdelay $0x4  }
0x16: {  	v4 =	vshll.u32 v3, $0x1  }
0x17: {  	v3 =	vand.u32 $0x7, v3;
	v4 =	vand.u32 $0xFFFFFFF0, v4  }
0x18: {  	v3 =	vor.u32 v3, v4  }
0x19: {  	v4 =	vperm.xlane v3, v0;
	_ =	sdelay $0x1  }
0x1a: {  	v3 =	vperm.xlane v3, v2;
	v4 =	vadd.s32 v1, v4;
	_ =	sdelay $0x1  }
0x1b: {  	v3 =	vadd.s32 v1, v3;
	_ =	sdelay $0x2  }
0x1c: {  	[tilespmem:s11], [sflag:$0x1] =	stream.indirect_vreg.gather [hbm4b:s1+s3], $0x80, v4, vm0, $0xb8;
	[tilespmem:$0x8200] =	vst v63  }
0x1d: {  	_ = 	snop  }
0x1e: {  	[tilespmem:s12], [sflag:$0x1] =	stream.indirect_vreg.gather [hbm4b:s1+s3], $0x80, v3, vm0, $0xb8;
	[tilespmem:$0x8200] =	vst v63  }
0x1f: {  	v3 =	vld [tilespmem:$0x10];
	_ =	sdelay $0x4  }
0x20: {  	v33 =	vshll.u32 v3, $0x1  }
0x21: {  	v3 =	vand.u32 $0x7, v3;
	v4 =	vand.u32 $0xFFFFFFF0, v33  }
0x22: {  	v3 =	vor.u32 v3, v4  }
0x23: {  	v4 =	vperm.xlane v3, v0;
	_ =	sdelay $0x1  }
0x24: {  	v3 =	vperm.xlane v3, v2;
	v4 =	vadd.s32 v1, v4;
	_ =	sdelay $0x1  }
0x25: {  	v3 =	vadd.s32 v1, v3;
	_ =	sdelay $0x2  }
0x26: {  	[tilespmem:s13], [sflag:$0x1] =	stream.indirect_vreg.gather [hbm4b:s1+s3], $0x80, v4, vm0, $0xb8;
	[tilespmem:$0x8200] =	vst v63  }
0x27: {  	_ = 	snop  }
0x28: {  	[tilespmem:s14], [sflag:$0x1] =	stream.indirect_vreg.gather [hbm4b:s1+s3], $0x80, v3, vm0, $0xb8;
	[tilespmem:$0x8200] =	vst v63  }
0x29: {  	v3 =	vld [tilespmem:$0x20];
	_ =	sdelay $0x4  }
0x2a: {  	v34 =	vshll.u32 v3, $0x1  }
0x2b: {  	v3 =	vand.u32 $0x7, v3;
	v4 =	vand.u32 $0xFFFFFFF0, v34  }
0x2c: {  	v3 =	vor.u32 v3, v4  }
0x2d: {  	v4 =	vperm.xlane v3, v0;
	_ =	sdelay $0x1  }
0x2e: {  	v3 =	vperm.xlane v3, v2;
	v4 =	vadd.s32 v1, v4;
	_ =	sdelay $0x1  }
0x2f: {  	v3 =	vadd.s32 v1, v3;
	_ =	sdelay $0x2  }
0x30: {  	[tilespmem:s15], [sflag:$0x1] =	stream.indirect_vreg.gather [hbm4b:s1+s3], $0x80, v4, vm0, $0xb8;
	[tilespmem:$0x8200] =	vst v63  }
0x31: {  	_ = 	snop  }
0x32: {  	[tilespmem:s16], [sflag:$0x1] =	stream.indirect_vreg.gather [hbm4b:s1+s3], $0x80, v3, vm0, $0xb8;
	[tilespmem:$0x8200] =	vst v63  }
0x33: {  	v3 =	vld [tilespmem:$0x30];
	_ =	sdelay $0x4  }
0x34: {  	v35 =	vshll.u32 v3, $0x1  }
0x35: {  	v3 =	vand.u32 $0x7, v3;
	v4 =	vand.u32 $0xFFFFFFF0, v35  }
0x36: {  	v3 =	vor.u32 v3, v4  }
0x37: {  	v4 =	vperm.xlane v3, v0;
	_ =	sdelay $0x1  }
0x38: {  	v3 =	vperm.xlane v3, v2;
	v4 =	vadd.s32 v1, v4;
	_ =	sdelay $0x1  }
0x39: {  	v3 =	vadd.s32 v1, v3;
	_ =	sdelay $0x2  }
0x3a: {  	[tilespmem:s17], [sflag:$0x1] =	stream.indirect_vreg.gather [hbm4b:s1+s3], $0x80, v4, vm0, $0xb8;
	[tilespmem:$0x8200] =	vst v63  }
0x3b: {  	_ = 	snop  }
0x3c: {  	[tilespmem:s18], [sflag:$0x1] =	stream.indirect_vreg.gather [hbm4b:s1+s3], $0x80, v3, vm0, $0xb8;
	[tilespmem:$0x8200] =	vst v63  }
0x3d: {  	v3 =	vld [tilespmem:$0x40];
	_ =	sdelay $0x4  }
0x3e: {  	v36 =	vshll.u32 v3, $0x1  }
0x3f: {  	v3 =	vand.u32 $0x7, v3;
	v4 =	vand.u32 $0xFFFFFFF0, v36  }
0x40: {  	v3 =	vor.u32 v3, v4  }
0x41: {  	v4 =	vperm.xlane v3, v0;
	_ =	sdelay $0x1  }
0x42: {  	v3 =	vperm.xlane v3, v2;
	v4 =	vadd.s32 v1, v4;
	_ =	sdelay $0x1  }
0x43: {  	v3 =	vadd.s32 v1, v3;
	_ =	sdelay $0x2  }
0x44: {  	[tilespmem:s19], [sflag:$0x1] =	stream.indirect_vreg.gather [hbm4b:s1+s3], $0x80, v4, vm0, $0xb8;
	[tilespmem:$0x8200] =	vst v63  }
0x45: {  	_ = 	snop  }
0x46: {  	[tilespmem:s20], [sflag:$0x1] =	stream.indirect_vreg.gather [hbm4b:s1+s3], $0x80, v3, vm0, $0xb8;
	[tilespmem:$0x8200] =	vst v63  }
0x47: {  	v3 =	vld [tilespmem:$0x50];
	_ =	sdelay $0x4  }
0x48: {  	v37 =	vshll.u32 v3, $0x1  }
0x49: {  	v3 =	vand.u32 $0x7, v3;
	v4 =	vand.u32 $0xFFFFFFF0, v37  }
0x4a: {  	v3 =	vor.u32 v3, v4  }
0x4b: {  	v4 =	vperm.xlane v3, v0;
	_ =	sdelay $0x1  }
0x4c: {  	v3 =	vperm.xlane v3, v2;
	v4 =	vadd.s32 v1, v4;
	_ =	sdelay $0x1  }
0x4d: {  	v3 =	vadd.s32 v1, v3;
	_ =	sdelay $0x2  }
0x4e: {  	[tilespmem:s21], [sflag:$0x1] =	stream.indirect_vreg.gather [hbm4b:s1+s3], $0x80, v4, vm0, $0xb8;
	[tilespmem:$0x8200] =	vst v63  }
0x4f: {  	_ = 	snop  }
0x50: {  	[tilespmem:s22], [sflag:$0x1] =	stream.indirect_vreg.gather [hbm4b:s1+s3], $0x80, v3, vm0, $0xb8;
	[tilespmem:$0x8200] =	vst v63  }
0x51: {  	v3 =	vld [tilespmem:$0x60];
	_ =	sdelay $0x4  }
0x52: {  	v38 =	vshll.u32 v3, $0x1  }
0x53: {  	v3 =	vand.u32 $0x7, v3;
	v4 =	vand.u32 $0xFFFFFFF0, v38  }
0x54: {  	v3 =	vor.u32 v3, v4  }
0x55: {  	v4 =	vperm.xlane v3, v0;
	_ =	sdelay $0x1  }
0x56: {  	v3 =	vperm.xlane v3, v2;
	v4 =	vadd.s32 v1, v4;
	_ =	sdelay $0x1  }
0x57: {  	v3 =	vadd.s32 v1, v3;
	_ =	sdelay $0x2  }
0x58: {  	[tilespmem:s23], [sflag:$0x1] =	stream.indirect_vreg.gather [hbm4b:s1+s3], $0x80, v4, vm0, $0xb8;
	[tilespmem:$0x8200] =	vst v63  }
0x59: {  	_ = 	snop  }
0x5a: {  	[tilespmem:s24], [sflag:$0x1] =	stream.indirect_vreg.gather [hbm4b:s1+s3], $0x80, v3, vm0, $0xb8;
	[tilespmem:$0x8200] =	vst v63  }
0x5b: {  	v3 =	vld [tilespmem:$0x70];
	_ =	sdelay $0x4  }
0x5c: {  	v39 =	vshll.u32 v3, $0x1  }
0x5d: {  	v3 =	vand.u32 $0x7, v3;
	v4 =	vand.u32 $0xFFFFFFF0, v39  }
0x5e: {  	v3 =	vor.u32 v3, v4  }
0x5f: {  	v4 =	vperm.xlane v3, v0;
	_ =	sdelay $0x1  }
0x60: {  	v3 =	vperm.xlane v3, v2;
	v4 =	vadd.s32 v1, v4;
	_ =	sdelay $0x1  }
0x61: {  	v3 =	vadd.s32 v1, v3;
	_ =	sdelay $0x2  }
0x62: {  	[tilespmem:s25], [sflag:$0x1] =	stream.indirect_vreg.gather [hbm4b:s1+s3], $0x80, v4, vm0, $0xb8;
	[tilespmem:$0x8200] =	vst v63  }
0x63: {  	_ = 	snop  }
0x64: {  	[tilespmem:s26], [sflag:$0x1] =	stream.indirect_vreg.gather [hbm4b:s1+s3], $0x80, v3, vm0, $0xb8;
	[tilespmem:$0x8200] =	vst v63  }
0x65: {  	_ =	swait.ge [sflag:s28], $0x8000  }
0x66: {  	[sflag:s28] =	ssyncset.done $0x0  }
0x67: {  	[sflag:s28] =	ssyncadd.s32 $0xFFFF8000  }
0x68: {  	[hbm4b:s5+s3] =	stream.linear.scatter [tilespmem:s11], [sflag:$0x2], $0x8000, $0x38;
	[tilespmem:$0x8200] =	vst v63  }
0x69: {  	_ =	swait.ge [sflag:s10], $0x8000  }
0x6a: {  	[sflag:s10] =	ssyncset.done $0x0  }
0x6b: {  	[sflag:s10] =	ssyncadd.s32 $0xFFFF8000  }
0x6c: {  	v3 =	vld [tilespmem:$0x80];
	_ =	sdelay $0x4  }
0x6d: {  	v40 =	vshll.u32 v3, $0x1  }
0x6e: {  	v3 =	vand.u32 $0x7, v3;
	v4 =	vand.u32 $0xFFFFFFF0, v40  }
0x6f: {  	v3 =	vor.u32 v3, v4  }
0x70: {  	v4 =	vperm.xlane v3, v0;
	_ =	sdelay $0x1  }
0x71: {  	v3 =	vperm.xlane v3, v2;
	v4 =	vadd.s32 v1, v4;
	_ =	sdelay $0x1  }
0x72: {  	v3 =	vadd.s32 v1, v3;
	_ =	sdelay $0x2  }
0x73: {  	[tilespmem:s11], [sflag:$0x1] =	stream.indirect_vreg.gather [hbm4b:s1+s3], $0x80, v4, vm0, $0xb8;
	[tilespmem:$0x8200] =	vst v63  }
0x74: {  	_ = 	snop  }
0x75: {  	[tilespmem:s12], [sflag:$0x1] =	stream.indirect_vreg.gather [hbm4b:s1+s3], $0x80, v3, vm0, $0xb8;
	[tilespmem:$0x8200] =	vst v63  }
0x76: {  	v3 =	vld [tilespmem:$0x90];
	_ =	sdelay $0x4  }
0x77: {  	v41 =	vshll.u32 v3, $0x1  }
0x78: {  	v3 =	vand.u32 $0x7, v3;
	v4 =	vand.u32 $0xFFFFFFF0, v41  }
0x79: {  	v3 =	vor.u32 v3, v4  }
0x7a: {  	v4 =	vperm.xlane v3, v0;
	_ =	sdelay $0x1  }
0x7b: {  	v3 =	vperm.xlane v3, v2;
	v4 =	vadd.s32 v1, v4;
	_ =	sdelay $0x1  }
0x7c: {  	v3 =	vadd.s32 v1, v3;
	_ =	sdelay $0x2  }
0x7d: {  	[tilespmem:s13], [sflag:$0x1] =	stream.indirect_vreg.gather [hbm4b:s1+s3], $0x80, v4, vm0, $0xb8;
	[tilespmem:$0x8200] =	vst v63  }
0x7e: {  	_ = 	snop  }
0x7f: {  	[tilespmem:s14], [sflag:$0x1] =	stream.indirect_vreg.gather [hbm4b:s1+s3], $0x80, v3, vm0, $0xb8;
	[tilespmem:$0x8200] =	vst v63  }
0x80: {  	v3 =	vld [tilespmem:$0xA0];
	_ =	sdelay $0x4  }
0x81: {  	v42 =	vshll.u32 v3, $0x1  }
0x82: {  	v3 =	vand.u32 $0x7, v3;
	v4 =	vand.u32 $0xFFFFFFF0, v42  }
0x83: {  	v3 =	vor.u32 v3, v4  }
0x84: {  	v4 =	vperm.xlane v3, v0;
	_ =	sdelay $0x1  }
0x85: {  	v3 =	vperm.xlane v3, v2;
	v4 =	vadd.s32 v1, v4;
	_ =	sdelay $0x1  }
0x86: {  	v3 =	vadd.s32 v1, v3;
	_ =	sdelay $0x2  }
0x87: {  	[tilespmem:s15], [sflag:$0x1] =	stream.indirect_vreg.gather [hbm4b:s1+s3], $0x80, v4, vm0, $0xb8;
	[tilespmem:$0x8200] =	vst v63  }
0x88: {  	_ = 	snop  }
0x89: {  	[tilespmem:s16], [sflag:$0x1] =	stream.indirect_vreg.gather [hbm4b:s1+s3], $0x80, v3, vm0, $0xb8;
	[tilespmem:$0x8200] =	vst v63  }
0x8a: {  	v3 =	vld [tilespmem:$0xB0];
	_ =	sdelay $0x4  }
0x8b: {  	v43 =	vshll.u32 v3, $0x1  }
0x8c: {  	v3 =	vand.u32 $0x7, v3;
	v4 =	vand.u32 $0xFFFFFFF0, v43  }
0x8d: {  	v3 =	vor.u32 v3, v4  }
0x8e: {  	v4 =	vperm.xlane v3, v0;
	_ =	sdelay $0x1  }
0x8f: {  	v3 =	vperm.xlane v3, v2;
	v4 =	vadd.s32 v1, v4;
	_ =	sdelay $0x1  }
0x90: {  	v3 =	vadd.s32 v1, v3;
	_ =	sdelay $0x2  }
0x91: {  	[tilespmem:s17], [sflag:$0x1] =	stream.indirect_vreg.gather [hbm4b:s1+s3], $0x80, v4, vm0, $0xb8;
	[tilespmem:$0x8200] =	vst v63  }
0x92: {  	_ = 	snop  }
0x93: {  	[tilespmem:s18], [sflag:$0x1] =	stream.indirect_vreg.gather [hbm4b:s1+s3], $0x80, v3, vm0, $0xb8;
	[tilespmem:$0x8200] =	vst v63  }
0x94: {  	v3 =	vld [tilespmem:$0xC0];
	_ =	sdelay $0x4  }
0x95: {  	v44 =	vshll.u32 v3, $0x1  }
0x96: {  	v3 =	vand.u32 $0x7, v3;
	v4 =	vand.u32 $0xFFFFFFF0, v44  }
0x97: {  	v3 =	vor.u32 v3, v4  }
0x98: {  	v4 =	vperm.xlane v3, v0;
	_ =	sdelay $0x1  }
0x99: {  	v3 =	vperm.xlane v3, v2;
	v4 =	vadd.s32 v1, v4;
	_ =	sdelay $0x1  }
0x9a: {  	v3 =	vadd.s32 v1, v3;
	_ =	sdelay $0x2  }
0x9b: {  	[tilespmem:s19], [sflag:$0x1] =	stream.indirect_vreg.gather [hbm4b:s1+s3], $0x80, v4, vm0, $0xb8;
	[tilespmem:$0x8200] =	vst v63  }
0x9c: {  	_ = 	snop  }
0x9d: {  	[tilespmem:s20], [sflag:$0x1] =	stream.indirect_vreg.gather [hbm4b:s1+s3], $0x80, v3, vm0, $0xb8;
	[tilespmem:$0x8200] =	vst v63  }
0x9e: {  	v3 =	vld [tilespmem:$0xD0];
	_ =	sdelay $0x4  }
0x9f: {  	v45 =	vshll.u32 v3, $0x1  }
0xa0: {  	v3 =	vand.u32 $0x7, v3;
	v4 =	vand.u32 $0xFFFFFFF0, v45  }
0xa1: {  	v3 =	vor.u32 v3, v4  }
0xa2: {  	v4 =	vperm.xlane v3, v0;
	_ =	sdelay $0x1  }
0xa3: {  	v3 =	vperm.xlane v3, v2;
	v4 =	vadd.s32 v1, v4;
	_ =	sdelay $0x1  }
0xa4: {  	v3 =	vadd.s32 v1, v3;
	_ =	sdelay $0x2  }
0xa5: {  	[tilespmem:s21], [sflag:$0x1] =	stream.indirect_vreg.gather [hbm4b:s1+s3], $0x80, v4, vm0, $0xb8;
	[tilespmem:$0x8200] =	vst v63  }
0xa6: {  	_ = 	snop  }
0xa7: {  	[tilespmem:s22], [sflag:$0x1] =	stream.indirect_vreg.gather [hbm4b:s1+s3], $0x80, v3, vm0, $0xb8;
	[tilespmem:$0x8200] =	vst v63  }
0xa8: {  	v3 =	vld [tilespmem:$0xE0];
	_ =	sdelay $0x4  }
0xa9: {  	v46 =	vshll.u32 v3, $0x1  }
0xaa: {  	v3 =	vand.u32 $0x7, v3;
	v4 =	vand.u32 $0xFFFFFFF0, v46  }
0xab: {  	v3 =	vor.u32 v3, v4  }
0xac: {  	v4 =	vperm.xlane v3, v0;
	_ =	sdelay $0x1  }
0xad: {  	v3 =	vperm.xlane v3, v2;
	v4 =	vadd.s32 v1, v4;
	_ =	sdelay $0x1  }
0xae: {  	v3 =	vadd.s32 v1, v3;
	_ =	sdelay $0x2  }
0xaf: {  	[tilespmem:s23], [sflag:$0x1] =	stream.indirect_vreg.gather [hbm4b:s1+s3], $0x80, v4, vm0, $0xb8;
	[tilespmem:$0x8200] =	vst v63  }
0xb0: {  	_ = 	snop  }
0xb1: {  	[tilespmem:s24], [sflag:$0x1] =	stream.indirect_vreg.gather [hbm4b:s1+s3], $0x80, v3, vm0, $0xb8;
	[tilespmem:$0x8200] =	vst v63  }
0xb2: {  	v3 =	vld [tilespmem:$0xF0];
	_ =	sdelay $0x4  }
0xb3: {  	v47 =	vshll.u32 v3, $0x1  }
0xb4: {  	v3 =	vand.u32 $0x7, v3;
	v4 =	vand.u32 $0xFFFFFFF0, v47  }
0xb5: {  	v3 =	vor.u32 v3, v4  }
0xb6: {  	v4 =	vperm.xlane v3, v0;
	_ =	sdelay $0x1  }
0xb7: {  	v3 =	vperm.xlane v3, v2;
	v4 =	vadd.s32 v1, v4;
	_ =	sdelay $0x1  }
0xb8: {  	v3 =	vadd.s32 v1, v3;
	_ =	sdelay $0x2  }
0xb9: {  	[tilespmem:s25], [sflag:$0x1] =	stream.indirect_vreg.gather [hbm4b:s1+s3], $0x80, v4, vm0, $0xb8;
	[tilespmem:$0x8200] =	vst v63  }
0xba: {  	_ = 	snop  }
0xbb: {  	[tilespmem:s26], [sflag:$0x1] =	stream.indirect_vreg.gather [hbm4b:s1+s3], $0x80, v3, vm0, $0xb8;
	[tilespmem:$0x8200] =	vst v63  }
0xbc: {  	_ =	swait.ge [sflag:s28], $0x8000  }
0xbd: {  	[sflag:s28] =	ssyncset.done $0x0  }
0xbe: {  	[sflag:s28] =	ssyncadd.s32 $0xFFFF8000  }
0xbf: {  	[hbm4b:s6+s3] =	stream.linear.scatter [tilespmem:s11], [sflag:$0x2], $0x8000, $0x38;
	[tilespmem:$0x8200] =	vst v63  }
0xc0: {  	_ =	swait.ge [sflag:s10], $0x8000  }
0xc1: {  	[sflag:s10] =	ssyncset.done $0x0  }
0xc2: {  	[sflag:s10] =	ssyncadd.s32 $0xFFFF8000  }
0xc3: {  	v3 =	vld [tilespmem:$0x100];
	_ =	sdelay $0x4  }
0xc4: {  	v48 =	vshll.u32 v3, $0x1  }
0xc5: {  	v3 =	vand.u32 $0x7, v3;
	v4 =	vand.u32 $0xFFFFFFF0, v48  }
0xc6: {  	v3 =	vor.u32 v3, v4  }
0xc7: {  	v4 =	vperm.xlane v3, v0;
	_ =	sdelay $0x1  }
0xc8: {  	v3 =	vperm.xlane v3, v2;
	v4 =	vadd.s32 v1, v4;
	_ =	sdelay $0x1  }
0xc9: {  	v3 =	vadd.s32 v1, v3;
	_ =	sdelay $0x2  }
0xca: {  	[tilespmem:s11], [sflag:$0x1] =	stream.indirect_vreg.gather [hbm4b:s1+s3], $0x80, v4, vm0, $0xb8;
	[tilespmem:$0x8200] =	vst v63  }
0xcb: {  	_ = 	snop  }
0xcc: {  	[tilespmem:s12], [sflag:$0x1] =	stream.indirect_vreg.gather [hbm4b:s1+s3], $0x80, v3, vm0, $0xb8;
	[tilespmem:$0x8200] =	vst v63  }
0xcd: {  	v3 =	vld [tilespmem:$0x110];
	_ =	sdelay $0x4  }
0xce: {  	v49 =	vshll.u32 v3, $0x1  }
0xcf: {  	v3 =	vand.u32 $0x7, v3;
	v4 =	vand.u32 $0xFFFFFFF0, v49  }
0xd0: {  	v3 =	vor.u32 v3, v4  }
0xd1: {  	v4 =	vperm.xlane v3, v0;
	_ =	sdelay $0x1  }
0xd2: {  	v3 =	vperm.xlane v3, v2;
	v4 =	vadd.s32 v1, v4;
	_ =	sdelay $0x1  }
0xd3: {  	v3 =	vadd.s32 v1, v3;
	_ =	sdelay $0x2  }
0xd4: {  	[tilespmem:s13], [sflag:$0x1] =	stream.indirect_vreg.gather [hbm4b:s1+s3], $0x80, v4, vm0, $0xb8;
	[tilespmem:$0x8200] =	vst v63  }
0xd5: {  	_ = 	snop  }
0xd6: {  	[tilespmem:s14], [sflag:$0x1] =	stream.indirect_vreg.gather [hbm4b:s1+s3], $0x80, v3, vm0, $0xb8;
	[tilespmem:$0x8200] =	vst v63  }
0xd7: {  	v3 =	vld [tilespmem:$0x120];
	_ =	sdelay $0x4  }
0xd8: {  	v50 =	vshll.u32 v3, $0x1  }
0xd9: {  	v3 =	vand.u32 $0x7, v3;
	v4 =	vand.u32 $0xFFFFFFF0, v50  }
0xda: {  	v3 =	vor.u32 v3, v4  }
0xdb: {  	v4 =	vperm.xlane v3, v0;
	_ =	sdelay $0x1  }
0xdc: {  	v3 =	vperm.xlane v3, v2;
	v4 =	vadd.s32 v1, v4;
	_ =	sdelay $0x1  }
0xdd: {  	v3 =	vadd.s32 v1, v3;
	_ =	sdelay $0x2  }
0xde: {  	[tilespmem:s15], [sflag:$0x1] =	stream.indirect_vreg.gather [hbm4b:s1+s3], $0x80, v4, vm0, $0xb8;
	[tilespmem:$0x8200] =	vst v63  }
0xdf: {  	_ = 	snop  }
0xe0: {  	[tilespmem:s16], [sflag:$0x1] =	stream.indirect_vreg.gather [hbm4b:s1+s3], $0x80, v3, vm0, $0xb8;
	[tilespmem:$0x8200] =	vst v63  }
0xe1: {  	v3 =	vld [tilespmem:$0x130];
	_ =	sdelay $0x4  }
0xe2: {  	v51 =	vshll.u32 v3, $0x1  }
0xe3: {  	v3 =	vand.u32 $0x7, v3;
	v4 =	vand.u32 $0xFFFFFFF0, v51  }
0xe4: {  	v3 =	vor.u32 v3, v4  }
0xe5: {  	v4 =	vperm.xlane v3, v0;
	_ =	sdelay $0x1  }
0xe6: {  	v3 =	vperm.xlane v3, v2;
	v4 =	vadd.s32 v1, v4;
	_ =	sdelay $0x1  }
0xe7: {  	v3 =	vadd.s32 v1, v3;
	_ =	sdelay $0x2  }
0xe8: {  	[tilespmem:s17], [sflag:$0x1] =	stream.indirect_vreg.gather [hbm4b:s1+s3], $0x80, v4, vm0, $0xb8;
	[tilespmem:$0x8200] =	vst v63  }
0xe9: {  	_ = 	snop  }
0xea: {  	[tilespmem:s18], [sflag:$0x1] =	stream.indirect_vreg.gather [hbm4b:s1+s3], $0x80, v3, vm0, $0xb8;
	[tilespmem:$0x8200] =	vst v63  }
0xeb: {  	v3 =	vld [tilespmem:$0x140];
	_ =	sdelay $0x4  }
0xec: {  	v52 =	vshll.u32 v3, $0x1  }
0xed: {  	v3 =	vand.u32 $0x7, v3;
	v4 =	vand.u32 $0xFFFFFFF0, v52  }
0xee: {  	v3 =	vor.u32 v3, v4  }
0xef: {  	v4 =	vperm.xlane v3, v0;
	_ =	sdelay $0x1  }
0xf0: {  	v3 =	vperm.xlane v3, v2;
	v4 =	vadd.s32 v1, v4;
	_ =	sdelay $0x1  }
0xf1: {  	v3 =	vadd.s32 v1, v3;
	_ =	sdelay $0x2  }
0xf2: {  	[tilespmem:s19], [sflag:$0x1] =	stream.indirect_vreg.gather [hbm4b:s1+s3], $0x80, v4, vm0, $0xb8;
	[tilespmem:$0x8200] =	vst v63  }
0xf3: {  	_ = 	snop  }
0xf4: {  	[tilespmem:s20], [sflag:$0x1] =	stream.indirect_vreg.gather [hbm4b:s1+s3], $0x80, v3, vm0, $0xb8;
	[tilespmem:$0x8200] =	vst v63  }
0xf5: {  	v3 =	vld [tilespmem:$0x150];
	_ =	sdelay $0x4  }
0xf6: {  	v53 =	vshll.u32 v3, $0x1  }
0xf7: {  	v3 =	vand.u32 $0x7, v3;
	v4 =	vand.u32 $0xFFFFFFF0, v53  }
0xf8: {  	v3 =	vor.u32 v3, v4  }
0xf9: {  	v4 =	vperm.xlane v3, v0;
	_ =	sdelay $0x1  }
0xfa: {  	v3 =	vperm.xlane v3, v2;
	v4 =	vadd.s32 v1, v4;
	_ =	sdelay $0x1  }
0xfb: {  	v3 =	vadd.s32 v1, v3;
	_ =	sdelay $0x2  }
0xfc: {  	[tilespmem:s21], [sflag:$0x1] =	stream.indirect_vreg.gather [hbm4b:s1+s3], $0x80, v4, vm0, $0xb8;
	[tilespmem:$0x8200] =	vst v63  }
0xfd: {  	_ = 	snop  }
0xfe: {  	[tilespmem:s22], [sflag:$0x1] =	stream.indirect_vreg.gather [hbm4b:s1+s3], $0x80, v3, vm0, $0xb8;
	[tilespmem:$0x8200] =	vst v63  }
0xff: {  	v3 =	vld [tilespmem:$0x160];
	_ =	sdelay $0x4  }
0x100: {  	v54 =	vshll.u32 v3, $0x1  }
0x101: {  	v3 =	vand.u32 $0x7, v3;
	v4 =	vand.u32 $0xFFFFFFF0, v54  }
0x102: {  	v3 =	vor.u32 v3, v4  }
0x103: {  	v4 =	vperm.xlane v3, v0;
	_ =	sdelay $0x1  }
0x104: {  	v3 =	vperm.xlane v3, v2;
	v4 =	vadd.s32 v1, v4;
	_ =	sdelay $0x1  }
0x105: {  	v3 =	vadd.s32 v1, v3;
	_ =	sdelay $0x2  }
0x106: {  	[tilespmem:s23], [sflag:$0x1] =	stream.indirect_vreg.gather [hbm4b:s1+s3], $0x80, v4, vm0, $0xb8;
	[tilespmem:$0x8200] =	vst v63  }
0x107: {  	_ = 	snop  }
0x108: {  	[tilespmem:s24], [sflag:$0x1] =	stream.indirect_vreg.gather [hbm4b:s1+s3], $0x80, v3, vm0, $0xb8;
	[tilespmem:$0x8200] =	vst v63  }
0x109: {  	v3 =	vld [tilespmem:$0x170];
	_ =	sdelay $0x4  }
0x10a: {  	v55 =	vshll.u32 v3, $0x1  }
0x10b: {  	v3 =	vand.u32 $0x7, v3;
	v4 =	vand.u32 $0xFFFFFFF0, v55  }
0x10c: {  	v3 =	vor.u32 v3, v4  }
0x10d: {  	v4 =	vperm.xlane v3, v0;
	_ =	sdelay $0x1  }
0x10e: {  	v3 =	vperm.xlane v3, v2;
	v4 =	vadd.s32 v1, v4;
	_ =	sdelay $0x1  }
0x10f: {  	v3 =	vadd.s32 v1, v3;
	_ =	sdelay $0x2  }
0x110: {  	[tilespmem:s25], [sflag:$0x1] =	stream.indirect_vreg.gather [hbm4b:s1+s3], $0x80, v4, vm0, $0xb8;
	[tilespmem:$0x8200] =	vst v63  }
0x111: {  	_ = 	snop  }
0x112: {  	[tilespmem:s26], [sflag:$0x1] =	stream.indirect_vreg.gather [hbm4b:s1+s3], $0x80, v3, vm0, $0xb8;
	[tilespmem:$0x8200] =	vst v63  }
0x113: {  	_ =	swait.ge [sflag:s28], $0x8000  }
0x114: {  	[sflag:s28] =	ssyncset.done $0x0  }
0x115: {  	[sflag:s28] =	ssyncadd.s32 $0xFFFF8000  }
0x116: {  	[hbm4b:s7+s3] =	stream.linear.scatter [tilespmem:s11], [sflag:$0x2], $0x8000, $0x38;
	[tilespmem:$0x8200] =	vst v63  }
0x117: {  	_ =	swait.ge [sflag:s10], $0x8000  }
0x118: {  	[sflag:s10] =	ssyncset.done $0x0  }
0x119: {  	[sflag:s10] =	ssyncadd.s32 $0xFFFF8000  }
0x11a: {  	v3 =	vld [tilespmem:$0x180];
	_ =	sdelay $0x4  }
0x11b: {  	v56 =	vshll.u32 v3, $0x1  }
0x11c: {  	v3 =	vand.u32 $0x7, v3;
	v4 =	vand.u32 $0xFFFFFFF0, v56  }
0x11d: {  	v3 =	vor.u32 v3, v4  }
0x11e: {  	v4 =	vperm.xlane v3, v0;
	_ =	sdelay $0x1  }
0x11f: {  	v3 =	vperm.xlane v3, v2;
	v4 =	vadd.s32 v1, v4;
	_ =	sdelay $0x1  }
0x120: {  	v3 =	vadd.s32 v1, v3;
	_ =	sdelay $0x2  }
0x121: {  	[tilespmem:s11], [sflag:$0x1] =	stream.indirect_vreg.gather [hbm4b:s1+s3], $0x80, v4, vm0, $0xb8;
	[tilespmem:$0x8200] =	vst v63  }
0x122: {  	_ = 	snop  }
0x123: {  	[tilespmem:s12], [sflag:$0x1] =	stream.indirect_vreg.gather [hbm4b:s1+s3], $0x80, v3, vm0, $0xb8;
	[tilespmem:$0x8200] =	vst v63  }
0x124: {  	v3 =	vld [tilespmem:$0x190];
	_ =	sdelay $0x4  }
0x125: {  	v57 =	vshll.u32 v3, $0x1  }
0x126: {  	v3 =	vand.u32 $0x7, v3;
	v4 =	vand.u32 $0xFFFFFFF0, v57  }
0x127: {  	v3 =	vor.u32 v3, v4  }
0x128: {  	v4 =	vperm.xlane v3, v0;
	_ =	sdelay $0x1  }
0x129: {  	v3 =	vperm.xlane v3, v2;
	v4 =	vadd.s32 v1, v4;
	_ =	sdelay $0x1  }
0x12a: {  	v3 =	vadd.s32 v1, v3;
	_ =	sdelay $0x2  }
0x12b: {  	[tilespmem:s13], [sflag:$0x1] =	stream.indirect_vreg.gather [hbm4b:s1+s3], $0x80, v4, vm0, $0xb8;
	[tilespmem:$0x8200] =	vst v63  }
0x12c: {  	_ = 	snop  }
0x12d: {  	[tilespmem:s14], [sflag:$0x1] =	stream.indirect_vreg.gather [hbm4b:s1+s3], $0x80, v3, vm0, $0xb8;
	[tilespmem:$0x8200] =	vst v63  }
0x12e: {  	v3 =	vld [tilespmem:$0x1A0];
	_ =	sdelay $0x4  }
0x12f: {  	v58 =	vshll.u32 v3, $0x1  }
0x130: {  	v3 =	vand.u32 $0x7, v3;
	v4 =	vand.u32 $0xFFFFFFF0, v58  }
0x131: {  	v3 =	vor.u32 v3, v4  }
0x132: {  	v4 =	vperm.xlane v3, v0;
	_ =	sdelay $0x1  }
0x133: {  	v3 =	vperm.xlane v3, v2;
	v4 =	vadd.s32 v1, v4;
	_ =	sdelay $0x1  }
0x134: {  	v3 =	vadd.s32 v1, v3;
	_ =	sdelay $0x2  }
0x135: {  	[tilespmem:s15], [sflag:$0x1] =	stream.indirect_vreg.gather [hbm4b:s1+s3], $0x80, v4, vm0, $0xb8;
	[tilespmem:$0x8200] =	vst v63  }
0x136: {  	_ = 	snop  }
0x137: {  	[tilespmem:s16], [sflag:$0x1] =	stream.indirect_vreg.gather [hbm4b:s1+s3], $0x80, v3, vm0, $0xb8;
	[tilespmem:$0x8200] =	vst v63  }
0x138: {  	v3 =	vld [tilespmem:$0x1B0];
	_ =	sdelay $0x4  }
0x139: {  	v59 =	vshll.u32 v3, $0x1  }
0x13a: {  	v3 =	vand.u32 $0x7, v3;
	v4 =	vand.u32 $0xFFFFFFF0, v59  }
0x13b: {  	v3 =	vor.u32 v3, v4  }
0x13c: {  	v4 =	vperm.xlane v3, v0;
	_ =	sdelay $0x1  }
0x13d: {  	v3 =	vperm.xlane v3, v2;
	v4 =	vadd.s32 v1, v4;
	_ =	sdelay $0x1  }
0x13e: {  	v3 =	vadd.s32 v1, v3;
	_ =	sdelay $0x2  }
0x13f: {  	[tilespmem:s17], [sflag:$0x1] =	stream.indirect_vreg.gather [hbm4b:s1+s3], $0x80, v4, vm0, $0xb8;
	[tilespmem:$0x8200] =	vst v63  }
0x140: {  	_ = 	snop  }
0x141: {  	[tilespmem:s18], [sflag:$0x1] =	stream.indirect_vreg.gather [hbm4b:s1+s3], $0x80, v3, vm0, $0xb8;
	[tilespmem:$0x8200] =	vst v63  }
0x142: {  	v3 =	vld [tilespmem:$0x1C0];
	_ =	sdelay $0x4  }
0x143: {  	v60 =	vshll.u32 v3, $0x1  }
0x144: {  	v3 =	vand.u32 $0x7, v3;
	v4 =	vand.u32 $0xFFFFFFF0, v60  }
0x145: {  	v3 =	vor.u32 v3, v4  }
0x146: {  	v4 =	vperm.xlane v3, v0;
	_ =	sdelay $0x1  }
0x147: {  	v3 =	vperm.xlane v3, v2;
	v4 =	vadd.s32 v1, v4;
	_ =	sdelay $0x1  }
0x148: {  	v3 =	vadd.s32 v1, v3;
	_ =	sdelay $0x2  }
0x149: {  	[tilespmem:s19], [sflag:$0x1] =	stream.indirect_vreg.gather [hbm4b:s1+s3], $0x80, v4, vm0, $0xb8;
	[tilespmem:$0x8200] =	vst v63  }
0x14a: {  	_ = 	snop  }
0x14b: {  	[tilespmem:s20], [sflag:$0x1] =	stream.indirect_vreg.gather [hbm4b:s1+s3], $0x80, v3, vm0, $0xb8;
	[tilespmem:$0x8200] =	vst v63  }
0x14c: {  	v3 =	vld [tilespmem:$0x1D0];
	_ =	sdelay $0x4  }
0x14d: {  	v61 =	vshll.u32 v3, $0x1  }
0x14e: {  	v3 =	vand.u32 $0x7, v3;
	v4 =	vand.u32 $0xFFFFFFF0, v61  }
0x14f: {  	v3 =	vor.u32 v3, v4  }
0x150: {  	v4 =	vperm.xlane v3, v0;
	_ =	sdelay $0x1  }
0x151: {  	v3 =	vperm.xlane v3, v2;
	v4 =	vadd.s32 v1, v4;
	_ =	sdelay $0x1  }
0x152: {  	v3 =	vadd.s32 v1, v3;
	_ =	sdelay $0x2  }
0x153: {  	[tilespmem:s21], [sflag:$0x1] =	stream.indirect_vreg.gather [hbm4b:s1+s3], $0x80, v4, vm0, $0xb8;
	[tilespmem:$0x8200] =	vst v63  }
0x154: {  	_ = 	snop  }
0x155: {  	[tilespmem:s22], [sflag:$0x1] =	stream.indirect_vreg.gather [hbm4b:s1+s3], $0x80, v3, vm0, $0xb8;
	[tilespmem:$0x8200] =	vst v63  }
0x156: {  	v3 =	vld [tilespmem:$0x1E0];
	_ =	sdelay $0x4  }
0x157: {  	v62 =	vshll.u32 v3, $0x1  }
0x158: {  	v3 =	vand.u32 $0x7, v3;
	v4 =	vand.u32 $0xFFFFFFF0, v62  }
0x159: {  	v3 =	vor.u32 v3, v4  }
0x15a: {  	v4 =	vperm.xlane v3, v0;
	_ =	sdelay $0x1  }
0x15b: {  	v3 =	vperm.xlane v3, v2;
	v4 =	vadd.s32 v1, v4;
	_ =	sdelay $0x1  }
0x15c: {  	v3 =	vadd.s32 v1, v3;
	_ =	sdelay $0x2  }
0x15d: {  	[tilespmem:s23], [sflag:$0x1] =	stream.indirect_vreg.gather [hbm4b:s1+s3], $0x80, v4, vm0, $0xb8;
	[tilespmem:$0x8200] =	vst v63  }
0x15e: {  	_ = 	snop  }
0x15f: {  	[tilespmem:s24], [sflag:$0x1] =	stream.indirect_vreg.gather [hbm4b:s1+s3], $0x80, v3, vm0, $0xb8;
	[tilespmem:$0x8200] =	vst v63  }
0x160: {  	v3 =	vld [tilespmem:$0x1F0];
	_ =	sdelay $0x4  }
0x161: {  	v63 =	vshll.u32 v3, $0x1  }
0x162: {  	v3 =	vand.u32 $0x7, v3;
	v4 =	vand.u32 $0xFFFFFFF0, v63  }
0x163: {  	v3 =	vor.u32 v3, v4  }
0x164: {  	v4 =	vperm.xlane v3, v0;
	_ =	sdelay $0x1  }
0x165: {  	v3 =	vperm.xlane v3, v2;
	v4 =	vadd.s32 v1, v4;
	_ =	sdelay $0x1  }
0x166: {  	v3 =	vadd.s32 v1, v3;
	_ =	sdelay $0x2  }
0x167: {  	[tilespmem:s25], [sflag:$0x1] =	stream.indirect_vreg.gather [hbm4b:s1+s3], $0x80, v4, vm0, $0xb8;
	[tilespmem:$0x8200] =	vst v63  }
0x168: {  	_ = 	snop  }
0x169: {  	[tilespmem:s26], [sflag:$0x1] =	stream.indirect_vreg.gather [hbm4b:s1+s3], $0x80, v3, vm0, $0xb8;
	[tilespmem:$0x8200] =	vst v63  }
0x16a: {  	_ =	swait.ge [sflag:s28], $0x8000  }
0x16b: {  	p0 =	sne.s32 s9, $0x1;
	[sflag:s28] =	ssyncset.done $0x0  }
.Ltmp0:
0x16c: {  	[sflag:s28] =	ssyncadd.s32 $0xFFFF8000;
	(pc) =	sbr.rel @p0 .LBB2_1-.Ltmp0, $4  }
0x16d: {  	[hbm4b:s8+s3] =	stream.linear.scatter [tilespmem:s11], [sflag:$0x2], $0x8000, $0x38;
	[tilespmem:$0x8200] =	vst v63  }
0x16e: {  	_ =	swait.ge [sflag:s10], $0x8000  }
0x16f: {  	[sflag:s10] =	ssyncset.done $0x0  }
0x170: {  	s9 =	sadd.s32 $0xFFFFFFFF, s9;
	[sflag:s10] =	ssyncadd.s32 $0xFFFF8000  }
0x171: {  	_ =	sfence.sel $0x180000  }
0x172: {  	[bflag:$0x0] =	sbarrier.arrive $0xFFFF  }
0x173: {  	p0 =	sne.s32 s2, $0x0;
	_ =	strace $0x90000047  }
0x174: {  	s0 =	sadd.s32 @!p0 $0x100000, s0;
	[bflag:$0x2] =	sbarrier.arrive $0xFFFF  }
0x175: {  	[sflag:s0] =	ssyncadd.tile.s32 @!p0 $0x1;
	_ =	shalt  }
.Lfunc_end2:
_tile_overlayer_lowered:
.L_overlay_start_2:
0x176: {  	(tag) =	ssettag $0x2  }
0x177: {  	s0 =	rddreg [dreg:$0x0];
	s2 =	stileid.u32  }
0x178: {  	s1 =	rddreg [dreg:$0x1];
	p0 =	sne.s32 s2, $0x0  }
0x179: {  	s3 =	rddreg [dreg:$0x2];
	[bflag:$0x3] =	sbarrier.arrive $0xFFFF;
	s2 =	simm.s32 @!p0 $0x1C02  }
0x17a: {  	[timem:s3], [sflag:s2] =	dma.local @!p0 [hbm:s0], s1  }
0x17b: {  	s0 =	simm.s32 @!p0 $0x2  }
0x17c: {  	_ =	swait.ge @!p0 [sflag:s0], s1  }
0x17d: {  	s1 =	ssub.s32 @!p0 $0x0, s1;
	[sflag:s0] =	ssyncset.done @!p0 $0x0  }
0x17e: {  	[sflag:s0] =	ssyncadd.s32 @!p0 s1  }
0x17f: {  	[bflag:$0x3] =	sbarrier.arrive $0xFFFF  }
0x180: {  	_ =	shalt  }

</sc_bundles>
